<compile_context>
chip_gen: v7x
topology: tpu7x:2x2x1
jax: 0.10.2.dev20260603
libtpu: 0.0.44.dev20260713+nightly
codegen_flags: <defaults>
</compile_context>

<pallas_src>
import functools

import jax
import jax.numpy as jnp
from jax import lax
from jax.experimental import pallas as pl
from jax.experimental.pallas import tpu as pltpu
from jax.experimental.pallas import tpu_sc as plsc

B = 16384
D = 32
NC = 2
NS = 16
L = 16
NW = NC * NS
BPW = B // NW
RING = 8
ROUNDS = BPW // RING

_mesh = plsc.VectorSubcoreMesh(
    core_axis_name="c", subcore_axis_name="s", num_cores=NC, num_subcores=NS
)


@functools.partial(
    pl.kernel,
    out_type=jax.ShapeDtypeStruct((B,), jnp.float32),
    mesh=_mesh,
    compiler_params=pltpu.CompilerParams(
        needs_layout_passes=False, use_tc_tiling_on_sc=True
    ),
    scratch_types=[
        pltpu.VMEM((BPW + L,), jnp.int32),
        pltpu.VMEM((BPW + L,), jnp.int32),
        pltpu.VMEM((RING, D, 128), jnp.float32),
        pltpu.VMEM((RING, D, 128), jnp.float32),
        pltpu.VMEM((BPW,), jnp.float32),
    ] + [pltpu.SemaphoreType.DMA] * RING,
)
def _mf_kernel(cidx_hbm, pidx_hbm, cembt_hbm, pembt_hbm, out_hbm,
               cidx_v, pidx_v, cpg, ppg, out_v, *sems):
    wid = lax.axis_index("s") * NC + lax.axis_index("c")

    pltpu.sync_copy(cidx_hbm.at[wid], cidx_v.at[pl.ds(0, BPW)])
    pltpu.sync_copy(pidx_hbm.at[wid], pidx_v.at[pl.ds(0, BPW)])
    zeros16 = jnp.zeros((L,), jnp.int32)
    cidx_v[pl.ds(BPW, L)] = zeros16
    pidx_v[pl.ds(BPW, L)] = zeros16

    iota_d = lax.iota(jnp.int32, L)

    def fire(k, ci, pi):
        pc = pl.multiple_of(lax.mul(lax.shift_right_logical(ci, 7), 128), 128)
        pp = pl.multiple_of(lax.mul(lax.shift_right_logical(pi, 7), 128), 128)
        pltpu.async_copy(cembt_hbm.at[:, pl.ds(pc, 128)], cpg.at[k], sems[k])
        pltpu.async_copy(pembt_hbm.at[:, pl.ds(pp, 128)], ppg.at[k], sems[k])

    def drain(k):
        pltpu.make_async_copy(cembt_hbm.at[:, pl.ds(0, 128)], cpg.at[k],
                              sems[k]).wait()
        pltpu.make_async_copy(pembt_hbm.at[:, pl.ds(0, 128)], ppg.at[k],
                              sems[k]).wait()

    civ0 = cidx_v[pl.ds(0, L)]
    piv0 = pidx_v[pl.ds(0, L)]
    for k in range(RING):
        fire(k, civ0[k], piv0[k])

    def round_body(r, carry):
        civ = cidx_v[pl.ds(r * RING, L)]
        piv = pidx_v[pl.ds(r * RING, L)]
        nciv = cidx_v[pl.ds((r + 1) * RING, L)]
        npiv = pidx_v[pl.ds((r + 1) * RING, L)]
        lane_base = (r % 2) * RING
        for k in range(RING):
            drain(k)
            rlc = jnp.broadcast_to(civ[k] & 127, (L,))
            rlp = jnp.broadcast_to(piv[k] & 127, (L,))
            cv_lo = plsc.load_gather(cpg.at[k], [iota_d, rlc])
            cv_hi = plsc.load_gather(cpg.at[k], [iota_d + L, rlc])
            pv_lo = plsc.load_gather(ppg.at[k], [iota_d, rlp])
            pv_hi = plsc.load_gather(ppg.at[k], [iota_d + L, rlp])
            s = jnp.sum(cv_lo * pv_lo + cv_hi * pv_hi)
            carry = jnp.where(iota_d == lane_base + k, s, carry)

            @pl.when(r < ROUNDS - 1)
            def _(k=k):
                fire(k, nciv[k], npiv[k])

        @pl.when(r % 2 == 1)
        def _():
            out_v[pl.ds((r // 2) * L, L)] = carry

        return carry

    lax.fori_loop(0, ROUNDS, round_body, jnp.zeros((L,), jnp.float32))

    pltpu.sync_copy(out_v, out_hbm.at[pl.ds(wid * BPW, BPW)])


def kernel(customer_idx, product_idx, customer_emb, product_emb,
           customer_bias, product_bias):
    del customer_bias, product_bias
    cidx = customer_idx.reshape(NW, BPW)
    pidx = product_idx.reshape(NW, BPW)
    return _mf_kernel(cidx, pidx, customer_emb.T, product_emb.T)

# --- scband reference (transcript-rebuilt; emitter-appended) ---
"""Pipeline reference for scband-matrix-factorization-2843268349953 (READ-ONLY COPY).

The authoritative reference and input builder live on the scoring server;
editing this copy changes nothing except your own understanding.
"""

import jax, jax.numpy as jnp
import numpy as np

N_CUSTOMERS = 1000000
N_PRODUCTS = 1000000
EMBED_DIM = 32
BATCH = 16384


def setup_inputs(seed: int = 0) -> dict:
    key = jax.random.key(seed)
    k1, k2, k3, k4 = jax.random.split(key, 4)
    customer_idx = jax.random.randint(k1, (BATCH,), 0, N_CUSTOMERS, dtype=jnp.int64 if jax.config.jax_enable_x64 else jnp.int32).astype(jnp.int32)
    product_idx = jax.random.randint(k2, (BATCH,), 0, N_PRODUCTS, dtype=jnp.int64 if jax.config.jax_enable_x64 else jnp.int32).astype(jnp.int32)
    customer_emb = jax.random.normal(k3, (N_CUSTOMERS, EMBED_DIM), dtype=jnp.float32) * 0.01
    product_emb = jax.random.normal(k4, (N_PRODUCTS, EMBED_DIM), dtype=jnp.float32) * 0.01
    customer_bias = jnp.zeros((N_CUSTOMERS, 1), dtype=jnp.float32)
    product_bias = jnp.zeros((N_PRODUCTS, 1), dtype=jnp.float32)
    return {
        "customer_idx": customer_idx,
        "product_idx": product_idx,
        "customer_emb": customer_emb,
        "product_emb": product_emb,
        "customer_bias": customer_bias,
        "product_bias": product_bias,
    }


def reference(customer_idx, product_idx, customer_emb, product_emb, customer_bias, product_bias):
    c = jnp.take(customer_emb, customer_idx, axis=0)  # [B, D]
    p = jnp.take(product_emb, product_idx, axis=0)    # [B, D]
    dot = jnp.sum(c * p, axis=1)                      # [B]
    bias = jnp.take(customer_bias, customer_idx, axis=0)[:, 0] + jnp.take(product_bias, product_idx, axis=0)[:, 0]
    return dot + bias

if __name__ == "__main__":
    import jax
    _d = setup_inputs()
    print(jax.jit(kernel)(*tuple(_d.values())))

</pallas_src>

<mosaic_0001>
#map = affine_map<(d0, d1) -> (0, 0)>
#map1 = affine_map<(d0, d1) -> (0)>
module attributes {stable_mosaic.version = 14 : i64} {
  func.func @_mf_kernel(%arg0: i32, %arg1: i32, %arg2: memref<32x512xi32, #tpu.memory_space<hbm>>, %arg3: memref<32x512xi32, #tpu.memory_space<hbm>>, %arg4: memref<32x1000000xf32, #tpu.memory_space<hbm>>, %arg5: memref<32x1000000xf32, #tpu.memory_space<hbm>>, %arg6: memref<16384xf32, #tpu.memory_space<hbm>>, %arg7: memref<528xi32, #tpu.memory_space<vmem>>, %arg8: memref<528xi32, #tpu.memory_space<vmem>>, %arg9: memref<8x32x128xf32, #tpu.memory_space<vmem>>, %arg10: memref<8x32x128xf32, #tpu.memory_space<vmem>>, %arg11: memref<512xf32, #tpu.memory_space<vmem>>, %arg12: memref<!tpu.dma_semaphore, #tpu.memory_space<semaphore_mem>>, %arg13: memref<!tpu.dma_semaphore, #tpu.memory_space<semaphore_mem>>, %arg14: memref<!tpu.dma_semaphore, #tpu.memory_space<semaphore_mem>>, %arg15: memref<!tpu.dma_semaphore, #tpu.memory_space<semaphore_mem>>, %arg16: memref<!tpu.dma_semaphore, #tpu.memory_space<semaphore_mem>>, %arg17: memref<!tpu.dma_semaphore, #tpu.memory_space<semaphore_mem>>, %arg18: memref<!tpu.dma_semaphore, #tpu.memory_space<semaphore_mem>>, %arg19: memref<!tpu.dma_semaphore, #tpu.memory_space<semaphore_mem>>) attributes {dimension_semantics = [#tpu.dimension_semantics<core_parallel>, #tpu.dimension_semantics<subcore_parallel>], iteration_bounds = array<i64: 2, 16>, scalar_prefetch = 0 : i64, scratch_operands = 13 : i64, tpu.core_type = #tpu.core_type<sc_vector_subcore>, window_params = [{transform_indices = #map}, {transform_indices = #map}, {transform_indices = #map}, {transform_indices = #map}, {transform_indices = #map1}]} {
    %mul3A = arith.constant 2 : i32
    %mul3A_0 = arith.muli %arg1, %mul3A : i32
    %add3A = arith.addi %mul3A_0, %arg0 : i32
    "tpu.region"() ({
      %run_scoped3A = tpu.sem_alloc : memref<!tpu.dma_semaphore, #tpu.memory_space<semaphore_mem>>
      %dma_start3A_332 = arith.constant 0 : i32
      %dma_start3A_333 = tpu.memref_slice %arg7[%dma_start3A_332] : memref<528xi32, #tpu.memory_space<vmem>> -> memref<512xi32, #tpu.memory_space<vmem>>
      %dma_start3A_334 = arith.constant 0 : i32
      %dma_start3A_335 = tpu.memref_slice %arg2[%add3A, %dma_start3A_334] : memref<32x512xi32, #tpu.memory_space<hbm>> -> memref<1x512xi32, #tpu.memory_space<hbm>>
      %dma_start3A_336 = tpu.memref_squeeze %dma_start3A_335 : memref<1x512xi32, #tpu.memory_space<hbm>> -> memref<512xi32, #tpu.memory_space<hbm>>
      %dma_start3A_337 = arith.constant 0 : i32
      %dma_start3A_338 = tpu.memref_slice %arg7[%dma_start3A_337] : memref<528xi32, #tpu.memory_space<vmem>> -> memref<512xi32, #tpu.memory_space<vmem>>
      %dma_start3A_339 = arith.constant 0 : i32
      %dma_start3A_340 = tpu.memref_slice %arg2[%add3A, %dma_start3A_339] : memref<32x512xi32, #tpu.memory_space<hbm>> -> memref<1x512xi32, #tpu.memory_space<hbm>>
      %dma_start3A_341 = tpu.memref_squeeze %dma_start3A_340 : memref<1x512xi32, #tpu.memory_space<hbm>> -> memref<512xi32, #tpu.memory_space<hbm>>
      tpu.enqueue_dma source(%dma_start3A_341 : memref<512xi32, #tpu.memory_space<hbm>>) target(%dma_start3A_338 : memref<512xi32, #tpu.memory_space<vmem>>) target_semaphore(%run_scoped3A : memref<!tpu.dma_semaphore, #tpu.memory_space<semaphore_mem>>)
      %dma_wait3A = arith.constant 0 : i32
      %dma_wait3A_342 = tpu.memref_slice %arg7[%dma_wait3A] : memref<528xi32, #tpu.memory_space<vmem>> -> memref<512xi32, #tpu.memory_space<vmem>>
      %dma_wait3A_343 = arith.constant 0 : i32
      %dma_wait3A_344 = tpu.memref_slice %arg2[%add3A, %dma_wait3A_343] : memref<32x512xi32, #tpu.memory_space<hbm>> -> memref<1x512xi32, #tpu.memory_space<hbm>>
      %dma_wait3A_345 = tpu.memref_squeeze %dma_wait3A_344 : memref<1x512xi32, #tpu.memory_space<hbm>> -> memref<512xi32, #tpu.memory_space<hbm>>
      %dma_wait3A_346 = arith.constant 0 : i32
      %dma_wait3A_347 = tpu.memref_slice %arg7[%dma_wait3A_346] : memref<528xi32, #tpu.memory_space<vmem>> -> memref<512xi32, #tpu.memory_space<vmem>>
      %dma_wait3A_348 = arith.constant 0 : i32
      %dma_wait3A_349 = tpu.memref_slice %arg2[%add3A, %dma_wait3A_348] : memref<32x512xi32, #tpu.memory_space<hbm>> -> memref<1x512xi32, #tpu.memory_space<hbm>>
      %dma_wait3A_350 = tpu.memref_squeeze %dma_wait3A_349 : memref<1x512xi32, #tpu.memory_space<hbm>> -> memref<512xi32, #tpu.memory_space<hbm>>
      tpu.wait_dma2 semaphore(%run_scoped3A : memref<!tpu.dma_semaphore, #tpu.memory_space<semaphore_mem>>) src(%dma_wait3A_350 : memref<512xi32, #tpu.memory_space<hbm>>) dst(%dma_wait3A_347 : memref<512xi32, #tpu.memory_space<vmem>>)
      tpu.yield
    }) : () -> ()
    "tpu.region"() ({
      %run_scoped3A = tpu.sem_alloc : memref<!tpu.dma_semaphore, #tpu.memory_space<semaphore_mem>>
      %dma_start3A_332 = arith.constant 0 : i32
      %dma_start3A_333 = tpu.memref_slice %arg8[%dma_start3A_332] : memref<528xi32, #tpu.memory_space<vmem>> -> memref<512xi32, #tpu.memory_space<vmem>>
      %dma_start3A_334 = arith.constant 0 : i32
      %dma_start3A_335 = tpu.memref_slice %arg3[%add3A, %dma_start3A_334] : memref<32x512xi32, #tpu.memory_space<hbm>> -> memref<1x512xi32, #tpu.memory_space<hbm>>
      %dma_start3A_336 = tpu.memref_squeeze %dma_start3A_335 : memref<1x512xi32, #tpu.memory_space<hbm>> -> memref<512xi32, #tpu.memory_space<hbm>>
      %dma_start3A_337 = arith.constant 0 : i32
      %dma_start3A_338 = tpu.memref_slice %arg8[%dma_start3A_337] : memref<528xi32, #tpu.memory_space<vmem>> -> memref<512xi32, #tpu.memory_space<vmem>>
      %dma_start3A_339 = arith.constant 0 : i32
      %dma_start3A_340 = tpu.memref_slice %arg3[%add3A, %dma_start3A_339] : memref<32x512xi32, #tpu.memory_space<hbm>> -> memref<1x512xi32, #tpu.memory_space<hbm>>
      %dma_start3A_341 = tpu.memref_squeeze %dma_start3A_340 : memref<1x512xi32, #tpu.memory_space<hbm>> -> memref<512xi32, #tpu.memory_space<hbm>>
      tpu.enqueue_dma source(%dma_start3A_341 : memref<512xi32, #tpu.memory_space<hbm>>) target(%dma_start3A_338 : memref<512xi32, #tpu.memory_space<vmem>>) target_semaphore(%run_scoped3A : memref<!tpu.dma_semaphore, #tpu.memory_space<semaphore_mem>>)
      %dma_wait3A = arith.constant 0 : i32
      %dma_wait3A_342 = tpu.memref_slice %arg8[%dma_wait3A] : memref<528xi32, #tpu.memory_space<vmem>> -> memref<512xi32, #tpu.memory_space<vmem>>
      %dma_wait3A_343 = arith.constant 0 : i32
      %dma_wait3A_344 = tpu.memref_slice %arg3[%add3A, %dma_wait3A_343] : memref<32x512xi32, #tpu.memory_space<hbm>> -> memref<1x512xi32, #tpu.memory_space<hbm>>
      %dma_wait3A_345 = tpu.memref_squeeze %dma_wait3A_344 : memref<1x512xi32, #tpu.memory_space<hbm>> -> memref<512xi32, #tpu.memory_space<hbm>>
      %dma_wait3A_346 = arith.constant 0 : i32
      %dma_wait3A_347 = tpu.memref_slice %arg8[%dma_wait3A_346] : memref<528xi32, #tpu.memory_space<vmem>> -> memref<512xi32, #tpu.memory_space<vmem>>
      %dma_wait3A_348 = arith.constant 0 : i32
      %dma_wait3A_349 = tpu.memref_slice %arg3[%add3A, %dma_wait3A_348] : memref<32x512xi32, #tpu.memory_space<hbm>> -> memref<1x512xi32, #tpu.memory_space<hbm>>
      %dma_wait3A_350 = tpu.memref_squeeze %dma_wait3A_349 : memref<1x512xi32, #tpu.memory_space<hbm>> -> memref<512xi32, #tpu.memory_space<hbm>>
      tpu.wait_dma2 semaphore(%run_scoped3A : memref<!tpu.dma_semaphore, #tpu.memory_space<semaphore_mem>>) src(%dma_wait3A_350 : memref<512xi32, #tpu.memory_space<hbm>>) dst(%dma_wait3A_347 : memref<512xi32, #tpu.memory_space<vmem>>)
      tpu.yield
    }) : () -> ()
    %broadcast_in_dim3A = arith.constant 0 : i32
    %broadcast_in_dim3A_1 = vector.broadcast %broadcast_in_dim3A : i32 to vector<16xi32>
    %swap3A = arith.constant 512 : index
    %swap3A_2 = tpu.vector_load %arg7[%swap3A] {strides = array<i32>} : memref<528xi32, #tpu.memory_space<vmem>>, vector<16xi32>,
    tpu.vector_store %arg7[%swap3A], %broadcast_in_dim3A_1 {strides = array<i32>} : memref<528xi32, #tpu.memory_space<vmem>>, vector<16xi32>,
    %swap3A_3 = arith.constant 512 : index
    %swap3A_4 = tpu.vector_load %arg8[%swap3A_3] {strides = array<i32>} : memref<528xi32, #tpu.memory_space<vmem>>, vector<16xi32>,
    tpu.vector_store %arg8[%swap3A_3], %broadcast_in_dim3A_1 {strides = array<i32>} : memref<528xi32, #tpu.memory_space<vmem>>, vector<16xi32>,
    %iota3A = tpu.iota {dimensions = array<i32: 0>} : vector<16xi32>
    %get3A = arith.constant 0 : index
    %get3A_5 = tpu.vector_load %arg7[%get3A] {strides = array<i32>} : memref<528xi32, #tpu.memory_space<vmem>>, vector<16xi32>,
    %get3A_6 = arith.constant 0 : index
    %get3A_7 = tpu.vector_load %arg8[%get3A_6] {strides = array<i32>} : memref<528xi32, #tpu.memory_space<vmem>>, vector<16xi32>,
    %slice3A = vector.extract_strided_slice %get3A_5 {offsets = [0], sizes = [1], strides = [1]} : vector<16xi32> to vector<1xi32>
    %squeeze3A = vector.extract %slice3A[0] : i32 from vector<1xi32>
    %slice3A_8 = vector.extract_strided_slice %get3A_7 {offsets = [0], sizes = [1], strides = [1]} : vector<16xi32> to vector<1xi32>
    %squeeze3A_9 = vector.extract %slice3A_8[0] : i32 from vector<1xi32>
    %shift_right_logical3A = arith.constant 7 : i32
    %shift_right_logical3A_10 = arith.shrui %squeeze3A, %shift_right_logical3A : i32
    %mul3A_11 = arith.constant 128 : i32
    %mul3A_12 = arith.muli %shift_right_logical3A_10, %mul3A_11 : i32
    %multiple_of3A = tpu.assume_multiple %mul3A_12, 128 : i32
    %shift_right_logical3A_13 = arith.constant 7 : i32
    %shift_right_logical3A_14 = arith.shrui %squeeze3A_9, %shift_right_logical3A_13 : i32
    %mul3A_15 = arith.constant 128 : i32
    %mul3A_16 = arith.muli %shift_right_logical3A_14, %mul3A_15 : i32
    %multiple_of3A_17 = tpu.assume_multiple %mul3A_16, 128 : i32
    %dma_start3A = arith.constant 0 : i32
    %dma_start3A_18 = arith.constant 0 : i32
    %dma_start3A_19 = arith.constant 0 : i32
    %dma_start3A_20 = tpu.memref_slice %arg9[%dma_start3A, %dma_start3A_18, %dma_start3A_19] : memref<8x32x128xf32, #tpu.memory_space<vmem>> -> memref<1x32x128xf32, #tpu.memory_space<vmem>>
    %dma_start3A_21 = tpu.memref_squeeze %dma_start3A_20 : memref<1x32x128xf32, #tpu.memory_space<vmem>> -> memref<32x128xf32, #tpu.memory_space<vmem>>
    %dma_start3A_22 = arith.constant 0 : i32
    %dma_start3A_23 = tpu.memref_slice %arg4[%dma_start3A_22, %multiple_of3A] : memref<32x1000000xf32, #tpu.memory_space<hbm>> -> memref<32x128xf32, #tpu.memory_space<hbm>>
    %dma_start3A_24 = arith.constant 0 : i32
    %dma_start3A_25 = arith.constant 0 : i32
    %dma_start3A_26 = tpu.memref_slice %arg9[%dma_start3A, %dma_start3A_24, %dma_start3A_25] : memref<8x32x128xf32, #tpu.memory_space<vmem>> -> memref<1x32x128xf32, #tpu.memory_space<vmem>>
    %dma_start3A_27 = tpu.memref_squeeze %dma_start3A_26 : memref<1x32x128xf32, #tpu.memory_space<vmem>> -> memref<32x128xf32, #tpu.memory_space<vmem>>
    %dma_start3A_28 = arith.constant 0 : i32
    %dma_start3A_29 = tpu.memref_slice %arg4[%dma_start3A_28, %multiple_of3A] : memref<32x1000000xf32, #tpu.memory_space<hbm>> -> memref<32x128xf32, #tpu.memory_space<hbm>>
    tpu.enqueue_dma source(%dma_start3A_29 : memref<32x128xf32, #tpu.memory_space<hbm>>) target(%dma_start3A_27 : memref<32x128xf32, #tpu.memory_space<vmem>>) target_semaphore(%arg12 : memref<!tpu.dma_semaphore, #tpu.memory_space<semaphore_mem>>)
    %dma_start3A_30 = arith.constant 0 : i32
    %dma_start3A_31 = arith.constant 0 : i32
    %dma_start3A_32 = arith.constant 0 : i32
    %dma_start3A_33 = tpu.memref_slice %arg10[%dma_start3A_30, %dma_start3A_31, %dma_start3A_32] : memref<8x32x128xf32, #tpu.memory_space<vmem>> -> memref<1x32x128xf32, #tpu.memory_space<vmem>>
    %dma_start3A_34 = tpu.memref_squeeze %dma_start3A_33 : memref<1x32x128xf32, #tpu.memory_space<vmem>> -> memref<32x128xf32, #tpu.memory_space<vmem>>
    %dma_start3A_35 = arith.constant 0 : i32
    %dma_start3A_36 = tpu.memref_slice %arg5[%dma_start3A_35, %multiple_of3A_17] : memref<32x1000000xf32, #tpu.memory_space<hbm>> -> memref<32x128xf32, #tpu.memory_space<hbm>>
    %dma_start3A_37 = arith.constant 0 : i32
    %dma_start3A_38 = arith.constant 0 : i32
    %dma_start3A_39 = tpu.memref_slice %arg10[%dma_start3A_30, %dma_start3A_37, %dma_start3A_38] : memref<8x32x128xf32, #tpu.memory_space<vmem>> -> memref<1x32x128xf32, #tpu.memory_space<vmem>>
    %dma_start3A_40 = tpu.memref_squeeze %dma_start3A_39 : memref<1x32x128xf32, #tpu.memory_space<vmem>> -> memref<32x128xf32, #tpu.memory_space<vmem>>
    %dma_start3A_41 = arith.constant 0 : i32
    %dma_start3A_42 = tpu.memref_slice %arg5[%dma_start3A_41, %multiple_of3A_17] : memref<32x1000000xf32, #tpu.memory_space<hbm>> -> memref<32x128xf32, #tpu.memory_space<hbm>>
    tpu.enqueue_dma source(%dma_start3A_42 : memref<32x128xf32, #tpu.memory_space<hbm>>) target(%dma_start3A_40 : memref<32x128xf32, #tpu.memory_space<vmem>>) target_semaphore(%arg12 : memref<!tpu.dma_semaphore, #tpu.memory_space<semaphore_mem>>)
    %slice3A_43 = vector.extract_strided_slice %get3A_5 {offsets = [1], sizes = [1], strides = [1]} : vector<16xi32> to vector<1xi32>
    %squeeze3A_44 = vector.extract %slice3A_43[0] : i32 from vector<1xi32>
    %slice3A_45 = vector.extract_strided_slice %get3A_7 {offsets = [1], sizes = [1], strides = [1]} : vector<16xi32> to vector<1xi32>
    %squeeze3A_46 = vector.extract %slice3A_45[0] : i32 from vector<1xi32>
    %shift_right_logical3A_47 = arith.constant 7 : i32
    %shift_right_logical3A_48 = arith.shrui %squeeze3A_44, %shift_right_logical3A_47 : i32
    %mul3A_49 = arith.constant 128 : i32
    %mul3A_50 = arith.muli %shift_right_logical3A_48, %mul3A_49 : i32
    %multiple_of3A_51 = tpu.assume_multiple %mul3A_50, 128 : i32
    %shift_right_logical3A_52 = arith.constant 7 : i32
    %shift_right_logical3A_53 = arith.shrui %squeeze3A_46, %shift_right_logical3A_52 : i32
    %mul3A_54 = arith.constant 128 : i32
    %mul3A_55 = arith.muli %shift_right_logical3A_53, %mul3A_54 : i32
    %multiple_of3A_56 = tpu.assume_multiple %mul3A_55, 128 : i32
    %dma_start3A_57 = arith.constant 1 : i32
    %dma_start3A_58 = arith.constant 0 : i32
    %dma_start3A_59 = arith.constant 0 : i32
    %dma_start3A_60 = tpu.memref_slice %arg9[%dma_start3A_57, %dma_start3A_58, %dma_start3A_59] : memref<8x32x128xf32, #tpu.memory_space<vmem>> -> memref<1x32x128xf32, #tpu.memory_space<vmem>>
    %dma_start3A_61 = tpu.memref_squeeze %dma_start3A_60 : memref<1x32x128xf32, #tpu.memory_space<vmem>> -> memref<32x128xf32, #tpu.memory_space<vmem>>
    %dma_start3A_62 = arith.constant 0 : i32
    %dma_start3A_63 = tpu.memref_slice %arg4[%dma_start3A_62, %multiple_of3A_51] : memref<32x1000000xf32, #tpu.memory_space<hbm>> -> memref<32x128xf32, #tpu.memory_space<hbm>>
    %dma_start3A_64 = arith.constant 0 : i32
    %dma_start3A_65 = arith.constant 0 : i32
    %dma_start3A_66 = tpu.memref_slice %arg9[%dma_start3A_57, %dma_start3A_64, %dma_start3A_65] : memref<8x32x128xf32, #tpu.memory_space<vmem>> -> memref<1x32x128xf32, #tpu.memory_space<vmem>>
    %dma_start3A_67 = tpu.memref_squeeze %dma_start3A_66 : memref<1x32x128xf32, #tpu.memory_space<vmem>> -> memref<32x128xf32, #tpu.memory_space<vmem>>
    %dma_start3A_68 = arith.constant 0 : i32
    %dma_start3A_69 = tpu.memref_slice %arg4[%dma_start3A_68, %multiple_of3A_51] : memref<32x1000000xf32, #tpu.memory_space<hbm>> -> memref<32x128xf32, #tpu.memory_space<hbm>>
    tpu.enqueue_dma source(%dma_start3A_69 : memref<32x128xf32, #tpu.memory_space<hbm>>) target(%dma_start3A_67 : memref<32x128xf32, #tpu.memory_space<vmem>>) target_semaphore(%arg13 : memref<!tpu.dma_semaphore, #tpu.memory_space<semaphore_mem>>)
    %dma_start3A_70 = arith.constant 1 : i32
    %dma_start3A_71 = arith.constant 0 : i32
    %dma_start3A_72 = arith.constant 0 : i32
    %dma_start3A_73 = tpu.memref_slice %arg10[%dma_start3A_70, %dma_start3A_71, %dma_start3A_72] : memref<8x32x128xf32, #tpu.memory_space<vmem>> -> memref<1x32x128xf32, #tpu.memory_space<vmem>>
    %dma_start3A_74 = tpu.memref_squeeze %dma_start3A_73 : memref<1x32x128xf32, #tpu.memory_space<vmem>> -> memref<32x128xf32, #tpu.memory_space<vmem>>
    %dma_start3A_75 = arith.constant 0 : i32
    %dma_start3A_76 = tpu.memref_slice %arg5[%dma_start3A_75, %multiple_of3A_56] : memref<32x1000000xf32, #tpu.memory_space<hbm>> -> memref<32x128xf32, #tpu.memory_space<hbm>>
    %dma_start3A_77 = arith.constant 0 : i32
    %dma_start3A_78 = arith.constant 0 : i32
    %dma_start3A_79 = tpu.memref_slice %arg10[%dma_start3A_70, %dma_start3A_77, %dma_start3A_78] : memref<8x32x128xf32, #tpu.memory_space<vmem>> -> memref<1x32x128xf32, #tpu.memory_space<vmem>>
    %dma_start3A_80 = tpu.memref_squeeze %dma_start3A_79 : memref<1x32x128xf32, #tpu.memory_space<vmem>> -> memref<32x128xf32, #tpu.memory_space<vmem>>
    %dma_start3A_81 = arith.constant 0 : i32
    %dma_start3A_82 = tpu.memref_slice %arg5[%dma_start3A_81, %multiple_of3A_56] : memref<32x1000000xf32, #tpu.memory_space<hbm>> -> memref<32x128xf32, #tpu.memory_space<hbm>>
    tpu.enqueue_dma source(%dma_start3A_82 : memref<32x128xf32, #tpu.memory_space<hbm>>) target(%dma_start3A_80 : memref<32x128xf32, #tpu.memory_space<vmem>>) target_semaphore(%arg13 : memref<!tpu.dma_semaphore, #tpu.memory_space<semaphore_mem>>)
    %slice3A_83 = vector.extract_strided_slice %get3A_5 {offsets = [2], sizes = [1], strides = [1]} : vector<16xi32> to vector<1xi32>
    %squeeze3A_84 = vector.extract %slice3A_83[0] : i32 from vector<1xi32>
    %slice3A_85 = vector.extract_strided_slice %get3A_7 {offsets = [2], sizes = [1], strides = [1]} : vector<16xi32> to vector<1xi32>
    %squeeze3A_86 = vector.extract %slice3A_85[0] : i32 from vector<1xi32>
    %shift_right_logical3A_87 = arith.constant 7 : i32
    %shift_right_logical3A_88 = arith.shrui %squeeze3A_84, %shift_right_logical3A_87 : i32
    %mul3A_89 = arith.constant 128 : i32
    %mul3A_90 = arith.muli %shift_right_logical3A_88, %mul3A_89 : i32
    %multiple_of3A_91 = tpu.assume_multiple %mul3A_90, 128 : i32
    %shift_right_logical3A_92 = arith.constant 7 : i32
    %shift_right_logical3A_93 = arith.shrui %squeeze3A_86, %shift_right_logical3A_92 : i32
    %mul3A_94 = arith.constant 128 : i32
    %mul3A_95 = arith.muli %shift_right_logical3A_93, %mul3A_94 : i32
    %multiple_of3A_96 = tpu.assume_multiple %mul3A_95, 128 : i32
    %dma_start3A_97 = arith.constant 2 : i32
    %dma_start3A_98 = arith.constant 0 : i32
    %dma_start3A_99 = arith.constant 0 : i32
    %dma_start3A_100 = tpu.memref_slice %arg9[%dma_start3A_97, %dma_start3A_98, %dma_start3A_99] : memref<8x32x128xf32, #tpu.memory_space<vmem>> -> memref<1x32x128xf32, #tpu.memory_space<vmem>>
    %dma_start3A_101 = tpu.memref_squeeze %dma_start3A_100 : memref<1x32x128xf32, #tpu.memory_space<vmem>> -> memref<32x128xf32, #tpu.memory_space<vmem>>
    %dma_start3A_102 = arith.constant 0 : i32
    %dma_start3A_103 = tpu.memref_slice %arg4[%dma_start3A_102, %multiple_of3A_91] : memref<32x1000000xf32, #tpu.memory_space<hbm>> -> memref<32x128xf32, #tpu.memory_space<hbm>>
    %dma_start3A_104 = arith.constant 0 : i32
    %dma_start3A_105 = arith.constant 0 : i32
    %dma_start3A_106 = tpu.memref_slice %arg9[%dma_start3A_97, %dma_start3A_104, %dma_start3A_105] : memref<8x32x128xf32, #tpu.memory_space<vmem>> -> memref<1x32x128xf32, #tpu.memory_space<vmem>>
    %dma_start3A_107 = tpu.memref_squeeze %dma_start3A_106 : memref<1x32x128xf32, #tpu.memory_space<vmem>> -> memref<32x128xf32, #tpu.memory_space<vmem>>
    %dma_start3A_108 = arith.constant 0 : i32
    %dma_start3A_109 = tpu.memref_slice %arg4[%dma_start3A_108, %multiple_of3A_91] : memref<32x1000000xf32, #tpu.memory_space<hbm>> -> memref<32x128xf32, #tpu.memory_space<hbm>>
    tpu.enqueue_dma source(%dma_start3A_109 : memref<32x128xf32, #tpu.memory_space<hbm>>) target(%dma_start3A_107 : memref<32x128xf32, #tpu.memory_space<vmem>>) target_semaphore(%arg14 : memref<!tpu.dma_semaphore, #tpu.memory_space<semaphore_mem>>)
    %dma_start3A_110 = arith.constant 2 : i32
    %dma_start3A_111 = arith.constant 0 : i32
    %dma_start3A_112 = arith.constant 0 : i32
    %dma_start3A_113 = tpu.memref_slice %arg10[%dma_start3A_110, %dma_start3A_111, %dma_start3A_112] : memref<8x32x128xf32, #tpu.memory_space<vmem>> -> memref<1x32x128xf32, #tpu.memory_space<vmem>>
    %dma_start3A_114 = tpu.memref_squeeze %dma_start3A_113 : memref<1x32x128xf32, #tpu.memory_space<vmem>> -> memref<32x128xf32, #tpu.memory_space<vmem>>
    %dma_start3A_115 = arith.constant 0 : i32
    %dma_start3A_116 = tpu.memref_slice %arg5[%dma_start3A_115, %multiple_of3A_96] : memref<32x1000000xf32, #tpu.memory_space<hbm>> -> memref<32x128xf32, #tpu.memory_space<hbm>>
    %dma_start3A_117 = arith.constant 0 : i32
    %dma_start3A_118 = arith.constant 0 : i32
    %dma_start3A_119 = tpu.memref_slice %arg10[%dma_start3A_110, %dma_start3A_117, %dma_start3A_118] : memref<8x32x128xf32, #tpu.memory_space<vmem>> -> memref<1x32x128xf32, #tpu.memory_space<vmem>>
    %dma_start3A_120 = tpu.memref_squeeze %dma_start3A_119 : memref<1x32x128xf32, #tpu.memory_space<vmem>> -> memref<32x128xf32, #tpu.memory_space<vmem>>
    %dma_start3A_121 = arith.constant 0 : i32
    %dma_start3A_122 = tpu.memref_slice %arg5[%dma_start3A_121, %multiple_of3A_96] : memref<32x1000000xf32, #tpu.memory_space<hbm>> -> memref<32x128xf32, #tpu.memory_space<hbm>>
    tpu.enqueue_dma source(%dma_start3A_122 : memref<32x128xf32, #tpu.memory_space<hbm>>) target(%dma_start3A_120 : memref<32x128xf32, #tpu.memory_space<vmem>>) target_semaphore(%arg14 : memref<!tpu.dma_semaphore, #tpu.memory_space<semaphore_mem>>)
    %slice3A_123 = vector.extract_strided_slice %get3A_5 {offsets = [3], sizes = [1], strides = [1]} : vector<16xi32> to vector<1xi32>
    %squeeze3A_124 = vector.extract %slice3A_123[0] : i32 from vector<1xi32>
    %slice3A_125 = vector.extract_strided_slice %get3A_7 {offsets = [3], sizes = [1], strides = [1]} : vector<16xi32> to vector<1xi32>
    %squeeze3A_126 = vector.extract %slice3A_125[0] : i32 from vector<1xi32>
    %shift_right_logical3A_127 = arith.constant 7 : i32
    %shift_right_logical3A_128 = arith.shrui %squeeze3A_124, %shift_right_logical3A_127 : i32
    %mul3A_129 = arith.constant 128 : i32
    %mul3A_130 = arith.muli %shift_right_logical3A_128, %mul3A_129 : i32
    %multiple_of3A_131 = tpu.assume_multiple %mul3A_130, 128 : i32
    %shift_right_logical3A_132 = arith.constant 7 : i32
    %shift_right_logical3A_133 = arith.shrui %squeeze3A_126, %shift_right_logical3A_132 : i32
    %mul3A_134 = arith.constant 128 : i32
    %mul3A_135 = arith.muli %shift_right_logical3A_133, %mul3A_134 : i32
    %multiple_of3A_136 = tpu.assume_multiple %mul3A_135, 128 : i32
    %dma_start3A_137 = arith.constant 3 : i32
    %dma_start3A_138 = arith.constant 0 : i32
    %dma_start3A_139 = arith.constant 0 : i32
    %dma_start3A_140 = tpu.memref_slice %arg9[%dma_start3A_137, %dma_start3A_138, %dma_start3A_139] : memref<8x32x128xf32, #tpu.memory_space<vmem>> -> memref<1x32x128xf32, #tpu.memory_space<vmem>>
    %dma_start3A_141 = tpu.memref_squeeze %dma_start3A_140 : memref<1x32x128xf32, #tpu.memory_space<vmem>> -> memref<32x128xf32, #tpu.memory_space<vmem>>
    %dma_start3A_142 = arith.constant 0 : i32
    %dma_start3A_143 = tpu.memref_slice %arg4[%dma_start3A_142, %multiple_of3A_131] : memref<32x1000000xf32, #tpu.memory_space<hbm>> -> memref<32x128xf32, #tpu.memory_space<hbm>>
    %dma_start3A_144 = arith.constant 0 : i32
    %dma_start3A_145 = arith.constant 0 : i32
    %dma_start3A_146 = tpu.memref_slice %arg9[%dma_start3A_137, %dma_start3A_144, %dma_start3A_145] : memref<8x32x128xf32, #tpu.memory_space<vmem>> -> memref<1x32x128xf32, #tpu.memory_space<vmem>>
    %dma_start3A_147 = tpu.memref_squeeze %dma_start3A_146 : memref<1x32x128xf32, #tpu.memory_space<vmem>> -> memref<32x128xf32, #tpu.memory_space<vmem>>
    %dma_start3A_148 = arith.constant 0 : i32
    %dma_start3A_149 = tpu.memref_slice %arg4[%dma_start3A_148, %multiple_of3A_131] : memref<32x1000000xf32, #tpu.memory_space<hbm>> -> memref<32x128xf32, #tpu.memory_space<hbm>>
    tpu.enqueue_dma source(%dma_start3A_149 : memref<32x128xf32, #tpu.memory_space<hbm>>) target(%dma_start3A_147 : memref<32x128xf32, #tpu.memory_space<vmem>>) target_semaphore(%arg15 : memref<!tpu.dma_semaphore, #tpu.memory_space<semaphore_mem>>)
    %dma_start3A_150 = arith.constant 3 : i32
    %dma_start3A_151 = arith.constant 0 : i32
    %dma_start3A_152 = arith.constant 0 : i32
    %dma_start3A_153 = tpu.memref_slice %arg10[%dma_start3A_150, %dma_start3A_151, %dma_start3A_152] : memref<8x32x128xf32, #tpu.memory_space<vmem>> -> memref<1x32x128xf32, #tpu.memory_space<vmem>>
    %dma_start3A_154 = tpu.memref_squeeze %dma_start3A_153 : memref<1x32x128xf32, #tpu.memory_space<vmem>> -> memref<32x128xf32, #tpu.memory_space<vmem>>
    %dma_start3A_155 = arith.constant 0 : i32
    %dma_start3A_156 = tpu.memref_slice %arg5[%dma_start3A_155, %multiple_of3A_136] : memref<32x1000000xf32, #tpu.memory_space<hbm>> -> memref<32x128xf32, #tpu.memory_space<hbm>>
    %dma_start3A_157 = arith.constant 0 : i32
    %dma_start3A_158 = arith.constant 0 : i32
    %dma_start3A_159 = tpu.memref_slice %arg10[%dma_start3A_150, %dma_start3A_157, %dma_start3A_158] : memref<8x32x128xf32, #tpu.memory_space<vmem>> -> memref<1x32x128xf32, #tpu.memory_space<vmem>>
    %dma_start3A_160 = tpu.memref_squeeze %dma_start3A_159 : memref<1x32x128xf32, #tpu.memory_space<vmem>> -> memref<32x128xf32, #tpu.memory_space<vmem>>
    %dma_start3A_161 = arith.constant 0 : i32
    %dma_start3A_162 = tpu.memref_slice %arg5[%dma_start3A_161, %multiple_of3A_136] : memref<32x1000000xf32, #tpu.memory_space<hbm>> -> memref<32x128xf32, #tpu.memory_space<hbm>>
    tpu.enqueue_dma source(%dma_start3A_162 : memref<32x128xf32, #tpu.memory_space<hbm>>) target(%dma_start3A_160 : memref<32x128xf32, #tpu.memory_space<vmem>>) target_semaphore(%arg15 : memref<!tpu.dma_semaphore, #tpu.memory_space<semaphore_mem>>)
    %slice3A_163 = vector.extract_strided_slice %get3A_5 {offsets = [4], sizes = [1], strides = [1]} : vector<16xi32> to vector<1xi32>
    %squeeze3A_164 = vector.extract %slice3A_163[0] : i32 from vector<1xi32>
    %slice3A_165 = vector.extract_strided_slice %get3A_7 {offsets = [4], sizes = [1], strides = [1]} : vector<16xi32> to vector<1xi32>
    %squeeze3A_166 = vector.extract %slice3A_165[0] : i32 from vector<1xi32>
    %shift_right_logical3A_167 = arith.constant 7 : i32
    %shift_right_logical3A_168 = arith.shrui %squeeze3A_164, %shift_right_logical3A_167 : i32
    %mul3A_169 = arith.constant 128 : i32
    %mul3A_170 = arith.muli %shift_right_logical3A_168, %mul3A_169 : i32
    %multiple_of3A_171 = tpu.assume_multiple %mul3A_170, 128 : i32
    %shift_right_logical3A_172 = arith.constant 7 : i32
    %shift_right_logical3A_173 = arith.shrui %squeeze3A_166, %shift_right_logical3A_172 : i32
    %mul3A_174 = arith.constant 128 : i32
    %mul3A_175 = arith.muli %shift_right_logical3A_173, %mul3A_174 : i32
    %multiple_of3A_176 = tpu.assume_multiple %mul3A_175, 128 : i32
    %dma_start3A_177 = arith.constant 4 : i32
    %dma_start3A_178 = arith.constant 0 : i32
    %dma_start3A_179 = arith.constant 0 : i32
    %dma_start3A_180 = tpu.memref_slice %arg9[%dma_start3A_177, %dma_start3A_178, %dma_start3A_179] : memref<8x32x128xf32, #tpu.memory_space<vmem>> -> memref<1x32x128xf32, #tpu.memory_space<vmem>>
    %dma_start3A_181 = tpu.memref_squeeze %dma_start3A_180 : memref<1x32x128xf32, #tpu.memory_space<vmem>> -> memref<32x128xf32, #tpu.memory_space<vmem>>
    %dma_start3A_182 = arith.constant 0 : i32
    %dma_start3A_183 = tpu.memref_slice %arg4[%dma_start3A_182, %multiple_of3A_171] : memref<32x1000000xf32, #tpu.memory_space<hbm>> -> memref<32x128xf32, #tpu.memory_space<hbm>>
    %dma_start3A_184 = arith.constant 0 : i32
    %dma_start3A_185 = arith.constant 0 : i32
    %dma_start3A_186 = tpu.memref_slice %arg9[%dma_start3A_177, %dma_start3A_184, %dma_start3A_185] : memref<8x32x128xf32, #tpu.memory_space<vmem>> -> memref<1x32x128xf32, #tpu.memory_space<vmem>>
    %dma_start3A_187 = tpu.memref_squeeze %dma_start3A_186 : memref<1x32x128xf32, #tpu.memory_space<vmem>> -> memref<32x128xf32, #tpu.memory_space<vmem>>
    %dma_start3A_188 = arith.constant 0 : i32
    %dma_start3A_189 = tpu.memref_slice %arg4[%dma_start3A_188, %multiple_of3A_171] : memref<32x1000000xf32, #tpu.memory_space<hbm>> -> memref<32x128xf32, #tpu.memory_space<hbm>>
    tpu.enqueue_dma source(%dma_start3A_189 : memref<32x128xf32, #tpu.memory_space<hbm>>) target(%dma_start3A_187 : memref<32x128xf32, #tpu.memory_space<vmem>>) target_semaphore(%arg16 : memref<!tpu.dma_semaphore, #tpu.memory_space<semaphore_mem>>)
    %dma_start3A_190 = arith.constant 4 : i32
    %dma_start3A_191 = arith.constant 0 : i32
    %dma_start3A_192 = arith.constant 0 : i32
    %dma_start3A_193 = tpu.memref_slice %arg10[%dma_start3A_190, %dma_start3A_191, %dma_start3A_192] : memref<8x32x128xf32, #tpu.memory_space<vmem>> -> memref<1x32x128xf32, #tpu.memory_space<vmem>>
    %dma_start3A_194 = tpu.memref_squeeze %dma_start3A_193 : memref<1x32x128xf32, #tpu.memory_space<vmem>> -> memref<32x128xf32, #tpu.memory_space<vmem>>
    %dma_start3A_195 = arith.constant 0 : i32
    %dma_start3A_196 = tpu.memref_slice %arg5[%dma_start3A_195, %multiple_of3A_176] : memref<32x1000000xf32, #tpu.memory_space<hbm>> -> memref<32x128xf32, #tpu.memory_space<hbm>>
    %dma_start3A_197 = arith.constant 0 : i32
    %dma_start3A_198 = arith.constant 0 : i32
    %dma_start3A_199 = tpu.memref_slice %arg10[%dma_start3A_190, %dma_start3A_197, %dma_start3A_198] : memref<8x32x128xf32, #tpu.memory_space<vmem>> -> memref<1x32x128xf32, #tpu.memory_space<vmem>>
    %dma_start3A_200 = tpu.memref_squeeze %dma_start3A_199 : memref<1x32x128xf32, #tpu.memory_space<vmem>> -> memref<32x128xf32, #tpu.memory_space<vmem>>
    %dma_start3A_201 = arith.constant 0 : i32
    %dma_start3A_202 = tpu.memref_slice %arg5[%dma_start3A_201, %multiple_of3A_176] : memref<32x1000000xf32, #tpu.memory_space<hbm>> -> memref<32x128xf32, #tpu.memory_space<hbm>>
    tpu.enqueue_dma source(%dma_start3A_202 : memref<32x128xf32, #tpu.memory_space<hbm>>) target(%dma_start3A_200 : memref<32x128xf32, #tpu.memory_space<vmem>>) target_semaphore(%arg16 : memref<!tpu.dma_semaphore, #tpu.memory_space<semaphore_mem>>)
    %slice3A_203 = vector.extract_strided_slice %get3A_5 {offsets = [5], sizes = [1], strides = [1]} : vector<16xi32> to vector<1xi32>
    %squeeze3A_204 = vector.extract %slice3A_203[0] : i32 from vector<1xi32>
    %slice3A_205 = vector.extract_strided_slice %get3A_7 {offsets = [5], sizes = [1], strides = [1]} : vector<16xi32> to vector<1xi32>
    %squeeze3A_206 = vector.extract %slice3A_205[0] : i32 from vector<1xi32>
    %shift_right_logical3A_207 = arith.constant 7 : i32
    %shift_right_logical3A_208 = arith.shrui %squeeze3A_204, %shift_right_logical3A_207 : i32
    %mul3A_209 = arith.constant 128 : i32
    %mul3A_210 = arith.muli %shift_right_logical3A_208, %mul3A_209 : i32
    %multiple_of3A_211 = tpu.assume_multiple %mul3A_210, 128 : i32
    %shift_right_logical3A_212 = arith.constant 7 : i32
    %shift_right_logical3A_213 = arith.shrui %squeeze3A_206, %shift_right_logical3A_212 : i32
    %mul3A_214 = arith.constant 128 : i32
    %mul3A_215 = arith.muli %shift_right_logical3A_213, %mul3A_214 : i32
    %multiple_of3A_216 = tpu.assume_multiple %mul3A_215, 128 : i32
    %dma_start3A_217 = arith.constant 5 : i32
    %dma_start3A_218 = arith.constant 0 : i32
    %dma_start3A_219 = arith.constant 0 : i32
    %dma_start3A_220 = tpu.memref_slice %arg9[%dma_start3A_217, %dma_start3A_218, %dma_start3A_219] : memref<8x32x128xf32, #tpu.memory_space<vmem>> -> memref<1x32x128xf32, #tpu.memory_space<vmem>>
    %dma_start3A_221 = tpu.memref_squeeze %dma_start3A_220 : memref<1x32x128xf32, #tpu.memory_space<vmem>> -> memref<32x128xf32, #tpu.memory_space<vmem>>
    %dma_start3A_222 = arith.constant 0 : i32
    %dma_start3A_223 = tpu.memref_slice %arg4[%dma_start3A_222, %multiple_of3A_211] : memref<32x1000000xf32, #tpu.memory_space<hbm>> -> memref<32x128xf32, #tpu.memory_space<hbm>>
    %dma_start3A_224 = arith.constant 0 : i32
    %dma_start3A_225 = arith.constant 0 : i32
    %dma_start3A_226 = tpu.memref_slice %arg9[%dma_start3A_217, %dma_start3A_224, %dma_start3A_225] : memref<8x32x128xf32, #tpu.memory_space<vmem>> -> memref<1x32x128xf32, #tpu.memory_space<vmem>>
    %dma_start3A_227 = tpu.memref_squeeze %dma_start3A_226 : memref<1x32x128xf32, #tpu.memory_space<vmem>> -> memref<32x128xf32, #tpu.memory_space<vmem>>
    %dma_start3A_228 = arith.constant 0 : i32
    %dma_start3A_229 = tpu.memref_slice %arg4[%dma_start3A_228, %multiple_of3A_211] : memref<32x1000000xf32, #tpu.memory_space<hbm>> -> memref<32x128xf32, #tpu.memory_space<hbm>>
    tpu.enqueue_dma source(%dma_start3A_229 : memref<32x128xf32, #tpu.memory_space<hbm>>) target(%dma_start3A_227 : memref<32x128xf32, #tpu.memory_space<vmem>>) target_semaphore(%arg17 : memref<!tpu.dma_semaphore, #tpu.memory_space<semaphore_mem>>)
    %dma_start3A_230 = arith.constant 5 : i32
    %dma_start3A_231 = arith.constant 0 : i32
    %dma_start3A_232 = arith.constant 0 : i32
    %dma_start3A_233 = tpu.memref_slice %arg10[%dma_start3A_230, %dma_start3A_231, %dma_start3A_232] : memref<8x32x128xf32, #tpu.memory_space<vmem>> -> memref<1x32x128xf32, #tpu.memory_space<vmem>>
    %dma_start3A_234 = tpu.memref_squeeze %dma_start3A_233 : memref<1x32x128xf32, #tpu.memory_space<vmem>> -> memref<32x128xf32, #tpu.memory_space<vmem>>
    %dma_start3A_235 = arith.constant 0 : i32
    %dma_start3A_236 = tpu.memref_slice %arg5[%dma_start3A_235, %multiple_of3A_216] : memref<32x1000000xf32, #tpu.memory_space<hbm>> -> memref<32x128xf32, #tpu.memory_space<hbm>>
    %dma_start3A_237 = arith.constant 0 : i32
    %dma_start3A_238 = arith.constant 0 : i32
    %dma_start3A_239 = tpu.memref_slice %arg10[%dma_start3A_230, %dma_start3A_237, %dma_start3A_238] : memref<8x32x128xf32, #tpu.memory_space<vmem>> -> memref<1x32x128xf32, #tpu.memory_space<vmem>>
    %dma_start3A_240 = tpu.memref_squeeze %dma_start3A_239 : memref<1x32x128xf32, #tpu.memory_space<vmem>> -> memref<32x128xf32, #tpu.memory_space<vmem>>
    %dma_start3A_241 = arith.constant 0 : i32
    %dma_start3A_242 = tpu.memref_slice %arg5[%dma_start3A_241, %multiple_of3A_216] : memref<32x1000000xf32, #tpu.memory_space<hbm>> -> memref<32x128xf32, #tpu.memory_space<hbm>>
    tpu.enqueue_dma source(%dma_start3A_242 : memref<32x128xf32, #tpu.memory_space<hbm>>) target(%dma_start3A_240 : memref<32x128xf32, #tpu.memory_space<vmem>>) target_semaphore(%arg17 : memref<!tpu.dma_semaphore, #tpu.memory_space<semaphore_mem>>)
    %slice3A_243 = vector.extract_strided_slice %get3A_5 {offsets = [6], sizes = [1], strides = [1]} : vector<16xi32> to vector<1xi32>
    %squeeze3A_244 = vector.extract %slice3A_243[0] : i32 from vector<1xi32>
    %slice3A_245 = vector.extract_strided_slice %get3A_7 {offsets = [6], sizes = [1], strides = [1]} : vector<16xi32> to vector<1xi32>
    %squeeze3A_246 = vector.extract %slice3A_245[0] : i32 from vector<1xi32>
    %shift_right_logical3A_247 = arith.constant 7 : i32
    %shift_right_logical3A_248 = arith.shrui %squeeze3A_244, %shift_right_logical3A_247 : i32
    %mul3A_249 = arith.constant 128 : i32
    %mul3A_250 = arith.muli %shift_right_logical3A_248, %mul3A_249 : i32
    %multiple_of3A_251 = tpu.assume_multiple %mul3A_250, 128 : i32
    %shift_right_logical3A_252 = arith.constant 7 : i32
    %shift_right_logical3A_253 = arith.shrui %squeeze3A_246, %shift_right_logical3A_252 : i32
    %mul3A_254 = arith.constant 128 : i32
    %mul3A_255 = arith.muli %shift_right_logical3A_253, %mul3A_254 : i32
    %multiple_of3A_256 = tpu.assume_multiple %mul3A_255, 128 : i32
    %dma_start3A_257 = arith.constant 6 : i32
    %dma_start3A_258 = arith.constant 0 : i32
    %dma_start3A_259 = arith.constant 0 : i32
    %dma_start3A_260 = tpu.memref_slice %arg9[%dma_start3A_257, %dma_start3A_258, %dma_start3A_259] : memref<8x32x128xf32, #tpu.memory_space<vmem>> -> memref<1x32x128xf32, #tpu.memory_space<vmem>>
    %dma_start3A_261 = tpu.memref_squeeze %dma_start3A_260 : memref<1x32x128xf32, #tpu.memory_space<vmem>> -> memref<32x128xf32, #tpu.memory_space<vmem>>
    %dma_start3A_262 = arith.constant 0 : i32
    %dma_start3A_263 = tpu.memref_slice %arg4[%dma_start3A_262, %multiple_of3A_251] : memref<32x1000000xf32, #tpu.memory_space<hbm>> -> memref<32x128xf32, #tpu.memory_space<hbm>>
    %dma_start3A_264 = arith.constant 0 : i32
    %dma_start3A_265 = arith.constant 0 : i32
    %dma_start3A_266 = tpu.memref_slice %arg9[%dma_start3A_257, %dma_start3A_264, %dma_start3A_265] : memref<8x32x128xf32, #tpu.memory_space<vmem>> -> memref<1x32x128xf32, #tpu.memory_space<vmem>>
    %dma_start3A_267 = tpu.memref_squeeze %dma_start3A_266 : memref<1x32x128xf32, #tpu.memory_space<vmem>> -> memref<32x128xf32, #tpu.memory_space<vmem>>
    %dma_start3A_268 = arith.constant 0 : i32
    %dma_start3A_269 = tpu.memref_slice %arg4[%dma_start3A_268, %multiple_of3A_251] : memref<32x1000000xf32, #tpu.memory_space<hbm>> -> memref<32x128xf32, #tpu.memory_space<hbm>>
    tpu.enqueue_dma source(%dma_start3A_269 : memref<32x128xf32, #tpu.memory_space<hbm>>) target(%dma_start3A_267 : memref<32x128xf32, #tpu.memory_space<vmem>>) target_semaphore(%arg18 : memref<!tpu.dma_semaphore, #tpu.memory_space<semaphore_mem>>)
    %dma_start3A_270 = arith.constant 6 : i32
    %dma_start3A_271 = arith.constant 0 : i32
    %dma_start3A_272 = arith.constant 0 : i32
    %dma_start3A_273 = tpu.memref_slice %arg10[%dma_start3A_270, %dma_start3A_271, %dma_start3A_272] : memref<8x32x128xf32, #tpu.memory_space<vmem>> -> memref<1x32x128xf32, #tpu.memory_space<vmem>>
    %dma_start3A_274 = tpu.memref_squeeze %dma_start3A_273 : memref<1x32x128xf32, #tpu.memory_space<vmem>> -> memref<32x128xf32, #tpu.memory_space<vmem>>
    %dma_start3A_275 = arith.constant 0 : i32
    %dma_start3A_276 = tpu.memref_slice %arg5[%dma_start3A_275, %multiple_of3A_256] : memref<32x1000000xf32, #tpu.memory_space<hbm>> -> memref<32x128xf32, #tpu.memory_space<hbm>>
    %dma_start3A_277 = arith.constant 0 : i32
    %dma_start3A_278 = arith.constant 0 : i32
    %dma_start3A_279 = tpu.memref_slice %arg10[%dma_start3A_270, %dma_start3A_277, %dma_start3A_278] : memref<8x32x128xf32, #tpu.memory_space<vmem>> -> memref<1x32x128xf32, #tpu.memory_space<vmem>>
    %dma_start3A_280 = tpu.memref_squeeze %dma_start3A_279 : memref<1x32x128xf32, #tpu.memory_space<vmem>> -> memref<32x128xf32, #tpu.memory_space<vmem>>
    %dma_start3A_281 = arith.constant 0 : i32
    %dma_start3A_282 = tpu.memref_slice %arg5[%dma_start3A_281, %multiple_of3A_256] : memref<32x1000000xf32, #tpu.memory_space<hbm>> -> memref<32x128xf32, #tpu.memory_space<hbm>>
    tpu.enqueue_dma source(%dma_start3A_282 : memref<32x128xf32, #tpu.memory_space<hbm>>) target(%dma_start3A_280 : memref<32x128xf32, #tpu.memory_space<vmem>>) target_semaphore(%arg18 : memref<!tpu.dma_semaphore, #tpu.memory_space<semaphore_mem>>)
    %slice3A_283 = vector.extract_strided_slice %get3A_5 {offsets = [7], sizes = [1], strides = [1]} : vector<16xi32> to vector<1xi32>
    %squeeze3A_284 = vector.extract %slice3A_283[0] : i32 from vector<1xi32>
    %slice3A_285 = vector.extract_strided_slice %get3A_7 {offsets = [7], sizes = [1], strides = [1]} : vector<16xi32> to vector<1xi32>
    %squeeze3A_286 = vector.extract %slice3A_285[0] : i32 from vector<1xi32>
    %shift_right_logical3A_287 = arith.constant 7 : i32
    %shift_right_logical3A_288 = arith.shrui %squeeze3A_284, %shift_right_logical3A_287 : i32
    %mul3A_289 = arith.constant 128 : i32
    %mul3A_290 = arith.muli %shift_right_logical3A_288, %mul3A_289 : i32
    %multiple_of3A_291 = tpu.assume_multiple %mul3A_290, 128 : i32
    %shift_right_logical3A_292 = arith.constant 7 : i32
    %shift_right_logical3A_293 = arith.shrui %squeeze3A_286, %shift_right_logical3A_292 : i32
    %mul3A_294 = arith.constant 128 : i32
    %mul3A_295 = arith.muli %shift_right_logical3A_293, %mul3A_294 : i32
    %multiple_of3A_296 = tpu.assume_multiple %mul3A_295, 128 : i32
    %dma_start3A_297 = arith.constant 7 : i32
    %dma_start3A_298 = arith.constant 0 : i32
    %dma_start3A_299 = arith.constant 0 : i32
    %dma_start3A_300 = tpu.memref_slice %arg9[%dma_start3A_297, %dma_start3A_298, %dma_start3A_299] : memref<8x32x128xf32, #tpu.memory_space<vmem>> -> memref<1x32x128xf32, #tpu.memory_space<vmem>>
    %dma_start3A_301 = tpu.memref_squeeze %dma_start3A_300 : memref<1x32x128xf32, #tpu.memory_space<vmem>> -> memref<32x128xf32, #tpu.memory_space<vmem>>
    %dma_start3A_302 = arith.constant 0 : i32
    %dma_start3A_303 = tpu.memref_slice %arg4[%dma_start3A_302, %multiple_of3A_291] : memref<32x1000000xf32, #tpu.memory_space<hbm>> -> memref<32x128xf32, #tpu.memory_space<hbm>>
    %dma_start3A_304 = arith.constant 0 : i32
    %dma_start3A_305 = arith.constant 0 : i32
    %dma_start3A_306 = tpu.memref_slice %arg9[%dma_start3A_297, %dma_start3A_304, %dma_start3A_305] : memref<8x32x128xf32, #tpu.memory_space<vmem>> -> memref<1x32x128xf32, #tpu.memory_space<vmem>>
    %dma_start3A_307 = tpu.memref_squeeze %dma_start3A_306 : memref<1x32x128xf32, #tpu.memory_space<vmem>> -> memref<32x128xf32, #tpu.memory_space<vmem>>
    %dma_start3A_308 = arith.constant 0 : i32
    %dma_start3A_309 = tpu.memref_slice %arg4[%dma_start3A_308, %multiple_of3A_291] : memref<32x1000000xf32, #tpu.memory_space<hbm>> -> memref<32x128xf32, #tpu.memory_space<hbm>>
    tpu.enqueue_dma source(%dma_start3A_309 : memref<32x128xf32, #tpu.memory_space<hbm>>) target(%dma_start3A_307 : memref<32x128xf32, #tpu.memory_space<vmem>>) target_semaphore(%arg19 : memref<!tpu.dma_semaphore, #tpu.memory_space<semaphore_mem>>)
    %dma_start3A_310 = arith.constant 7 : i32
    %dma_start3A_311 = arith.constant 0 : i32
    %dma_start3A_312 = arith.constant 0 : i32
    %dma_start3A_313 = tpu.memref_slice %arg10[%dma_start3A_310, %dma_start3A_311, %dma_start3A_312] : memref<8x32x128xf32, #tpu.memory_space<vmem>> -> memref<1x32x128xf32, #tpu.memory_space<vmem>>
    %dma_start3A_314 = tpu.memref_squeeze %dma_start3A_313 : memref<1x32x128xf32, #tpu.memory_space<vmem>> -> memref<32x128xf32, #tpu.memory_space<vmem>>
    %dma_start3A_315 = arith.constant 0 : i32
    %dma_start3A_316 = tpu.memref_slice %arg5[%dma_start3A_315, %multiple_of3A_296] : memref<32x1000000xf32, #tpu.memory_space<hbm>> -> memref<32x128xf32, #tpu.memory_space<hbm>>
    %dma_start3A_317 = arith.constant 0 : i32
    %dma_start3A_318 = arith.constant 0 : i32
    %dma_start3A_319 = tpu.memref_slice %arg10[%dma_start3A_310, %dma_start3A_317, %dma_start3A_318] : memref<8x32x128xf32, #tpu.memory_space<vmem>> -> memref<1x32x128xf32, #tpu.memory_space<vmem>>
    %dma_start3A_320 = tpu.memref_squeeze %dma_start3A_319 : memref<1x32x128xf32, #tpu.memory_space<vmem>> -> memref<32x128xf32, #tpu.memory_space<vmem>>
    %dma_start3A_321 = arith.constant 0 : i32
    %dma_start3A_322 = tpu.memref_slice %arg5[%dma_start3A_321, %multiple_of3A_296] : memref<32x1000000xf32, #tpu.memory_space<hbm>> -> memref<32x128xf32, #tpu.memory_space<hbm>>
    tpu.enqueue_dma source(%dma_start3A_322 : memref<32x128xf32, #tpu.memory_space<hbm>>) target(%dma_start3A_320 : memref<32x128xf32, #tpu.memory_space<vmem>>) target_semaphore(%arg19 : memref<!tpu.dma_semaphore, #tpu.memory_space<semaphore_mem>>)
    %broadcast_in_dim3A_323 = arith.constant 0.000000e+00 : f32
    %broadcast_in_dim3A_324 = vector.broadcast %broadcast_in_dim3A_323 : f32 to vector<16xf32>
    %scan3A = arith.constant 0 : i32
    %scan3A_325 = arith.constant 64 : i32
    %scan3A_326 = arith.addi %scan3A, %scan3A_325 : i32
    %scan3A_327 = arith.constant 1 : i32
    %scan3A_328 = scf.for %scan3A_332 = %scan3A to %scan3A_326 step %scan3A_327 iter_args(%scan3A_333 = %broadcast_in_dim3A_324) -> (vector<16xf32>)  : i32 {
      %mul3A_334 = arith.constant 8 : i32
      %mul3A_335 = arith.muli %scan3A_332, %mul3A_334 : i32
      %get3A_336 = arith.index_cast %mul3A_335 : i32 to index
      %get3A_337 = tpu.vector_load %arg7[%get3A_336] {strides = array<i32>} : memref<528xi32, #tpu.memory_space<vmem>>, vector<16xi32>,
      %mul3A_338 = arith.constant 8 : i32
      %mul3A_339 = arith.muli %scan3A_332, %mul3A_338 : i32
      %get3A_340 = arith.index_cast %mul3A_339 : i32 to index
      %get3A_341 = tpu.vector_load %arg8[%get3A_340] {strides = array<i32>} : memref<528xi32, #tpu.memory_space<vmem>>, vector<16xi32>,
      %add3A_342 = arith.constant 1 : i32
      %add3A_343 = arith.addi %scan3A_332, %add3A_342 : i32
      %mul3A_344 = arith.constant 8 : i32
      %mul3A_345 = arith.muli %add3A_343, %mul3A_344 : i32
      %get3A_346 = arith.index_cast %mul3A_345 : i32 to index
      %get3A_347 = tpu.vector_load %arg7[%get3A_346] {strides = array<i32>} : memref<528xi32, #tpu.memory_space<vmem>>, vector<16xi32>,
      %add3A_348 = arith.constant 1 : i32
      %add3A_349 = arith.addi %scan3A_332, %add3A_348 : i32
      %mul3A_350 = arith.constant 8 : i32
      %mul3A_351 = arith.muli %add3A_349, %mul3A_350 : i32
      %get3A_352 = arith.index_cast %mul3A_351 : i32 to index
      %get3A_353 = tpu.vector_load %arg8[%get3A_352] {strides = array<i32>} : memref<528xi32, #tpu.memory_space<vmem>>, vector<16xi32>,
      %jit3A = arith.constant 2 : i32
      %eq3A = arith.constant 0 : i32
      %eq3A_354 = arith.cmpi eq, %jit3A, %eq3A : i32
      %jit3A_355 = arith.constant 1 : i32
      %select_n3A = arith.select %eq3A_354, %jit3A_355, %jit3A : i32
      %rem3A = arith.remsi %scan3A_332, %select_n3A : i32
      %ne3A = arith.constant 0 : i32
      %ne3A_356 = arith.cmpi ne, %rem3A, %ne3A : i32
      %lt3A = arith.constant 0 : i32
      %lt3A_357 = arith.cmpi slt, %rem3A, %lt3A : i32
      %lt3A_358 = arith.constant 0 : i32
      %lt3A_359 = arith.cmpi slt, %select_n3A, %lt3A_358 : i32
      %ne3A_360 = arith.xori %lt3A_357, %lt3A_359 : i1
      %and3A = arith.andi %ne3A_360, %ne3A_356 : i1
      %add3A_361 = arith.addi %rem3A, %select_n3A : i32
      %select_n3A_362 = arith.select %and3A, %add3A_361, %rem3A : i32
      %mul3A_363 = arith.constant 8 : i32
      %mul3A_364 = arith.muli %select_n3A_362, %mul3A_363 : i32
      %dma_wait3A = arith.constant 0 : i32
      %dma_wait3A_365 = arith.constant 0 : i32
      %dma_wait3A_366 = arith.constant 0 : i32
      %dma_wait3A_367 = tpu.memref_slice %arg9[%dma_wait3A, %dma_wait3A_365, %dma_wait3A_366] : memref<8x32x128xf32, #tpu.memory_space<vmem>> -> memref<1x32x128xf32, #tpu.memory_space<vmem>>
      %dma_wait3A_368 = tpu.memref_squeeze %dma_wait3A_367 : memref<1x32x128xf32, #tpu.memory_space<vmem>> -> memref<32x128xf32, #tpu.memory_space<vmem>>
      %dma_wait3A_369 = arith.constant 0 : i32
      %dma_wait3A_370 = arith.constant 0 : i32
      %dma_wait3A_371 = tpu.memref_slice %arg4[%dma_wait3A_369, %dma_wait3A_370] : memref<32x1000000xf32, #tpu.memory_space<hbm>> -> memref<32x128xf32, #tpu.memory_space<hbm>>
      %dma_wait3A_372 = arith.constant 0 : i32
      %dma_wait3A_373 = arith.constant 0 : i32
      %dma_wait3A_374 = tpu.memref_slice %arg9[%dma_wait3A, %dma_wait3A_372, %dma_wait3A_373] : memref<8x32x128xf32, #tpu.memory_space<vmem>> -> memref<1x32x128xf32, #tpu.memory_space<vmem>>
      %dma_wait3A_375 = tpu.memref_squeeze %dma_wait3A_374 : memref<1x32x128xf32, #tpu.memory_space<vmem>> -> memref<32x128xf32, #tpu.memory_space<vmem>>
      %dma_wait3A_376 = arith.constant 0 : i32
      %dma_wait3A_377 = arith.constant 0 : i32
      %dma_wait3A_378 = tpu.memref_slice %arg4[%dma_wait3A_376, %dma_wait3A_377] : memref<32x1000000xf32, #tpu.memory_space<hbm>> -> memref<32x128xf32, #tpu.memory_space<hbm>>
      tpu.wait_dma2 semaphore(%arg12 : memref<!tpu.dma_semaphore, #tpu.memory_space<semaphore_mem>>) src(%dma_wait3A_378 : memref<32x128xf32, #tpu.memory_space<hbm>>) dst(%dma_wait3A_375 : memref<32x128xf32, #tpu.memory_space<vmem>>)
      %dma_wait3A_379 = arith.constant 0 : i32
      %dma_wait3A_380 = arith.constant 0 : i32
      %dma_wait3A_381 = arith.constant 0 : i32
      %dma_wait3A_382 = tpu.memref_slice %arg10[%dma_wait3A_379, %dma_wait3A_380, %dma_wait3A_381] : memref<8x32x128xf32, #tpu.memory_space<vmem>> -> memref<1x32x128xf32, #tpu.memory_space<vmem>>
      %dma_wait3A_383 = tpu.memref_squeeze %dma_wait3A_382 : memref<1x32x128xf32, #tpu.memory_space<vmem>> -> memref<32x128xf32, #tpu.memory_space<vmem>>
      %dma_wait3A_384 = arith.constant 0 : i32
      %dma_wait3A_385 = arith.constant 0 : i32
      %dma_wait3A_386 = tpu.memref_slice %arg5[%dma_wait3A_384, %dma_wait3A_385] : memref<32x1000000xf32, #tpu.memory_space<hbm>> -> memref<32x128xf32, #tpu.memory_space<hbm>>
      %dma_wait3A_387 = arith.constant 0 : i32
      %dma_wait3A_388 = arith.constant 0 : i32
      %dma_wait3A_389 = tpu.memref_slice %arg10[%dma_wait3A_379, %dma_wait3A_387, %dma_wait3A_388] : memref<8x32x128xf32, #tpu.memory_space<vmem>> -> memref<1x32x128xf32, #tpu.memory_space<vmem>>
      %dma_wait3A_390 = tpu.memref_squeeze %dma_wait3A_389 : memref<1x32x128xf32, #tpu.memory_space<vmem>> -> memref<32x128xf32, #tpu.memory_space<vmem>>
      %dma_wait3A_391 = arith.constant 0 : i32
      %dma_wait3A_392 = arith.constant 0 : i32
      %dma_wait3A_393 = tpu.memref_slice %arg5[%dma_wait3A_391, %dma_wait3A_392] : memref<32x1000000xf32, #tpu.memory_space<hbm>> -> memref<32x128xf32, #tpu.memory_space<hbm>>
      tpu.wait_dma2 semaphore(%arg12 : memref<!tpu.dma_semaphore, #tpu.memory_space<semaphore_mem>>) src(%dma_wait3A_393 : memref<32x128xf32, #tpu.memory_space<hbm>>) dst(%dma_wait3A_390 : memref<32x128xf32, #tpu.memory_space<vmem>>)
      %slice3A_394 = vector.extract_strided_slice %get3A_337 {offsets = [0], sizes = [1], strides = [1]} : vector<16xi32> to vector<1xi32>
      %squeeze3A_395 = vector.extract %slice3A_394[0] : i32 from vector<1xi32>
      %and3A_396 = arith.constant 127 : i32
      %and3A_397 = arith.andi %squeeze3A_395, %and3A_396 : i32
      %broadcast_in_dim3A_398 = vector.broadcast %and3A_397 : i32 to vector<16xi32>
      %slice3A_399 = vector.extract_strided_slice %get3A_341 {offsets = [0], sizes = [1], strides = [1]} : vector<16xi32> to vector<1xi32>
      %squeeze3A_400 = vector.extract %slice3A_399[0] : i32 from vector<1xi32>
      %and3A_401 = arith.constant 127 : i32
      %and3A_402 = arith.andi %squeeze3A_400, %and3A_401 : i32
      %broadcast_in_dim3A_403 = vector.broadcast %and3A_402 : i32 to vector<16xi32>
      %gather3A = arith.constant 0 : i32
      %gather3A_404 = arith.constant 0 : i32
      %gather3A_405 = arith.constant 0 : i32
      %gather3A_406 = tpu.memref_slice %arg9[%gather3A, %gather3A_404, %gather3A_405] : memref<8x32x128xf32, #tpu.memory_space<vmem>> -> memref<1x32x128xf32, #tpu.memory_space<vmem>>
      %gather3A_407 = tpu.memref_squeeze %gather3A_406 : memref<1x32x128xf32, #tpu.memory_space<vmem>> -> memref<32x128xf32, #tpu.memory_space<vmem>>
      %gather3A_408 = tpu.vector_load_idx %gather3A_407[%iota3A, %broadcast_in_dim3A_398] : memref<32x128xf32, #tpu.memory_space<vmem>>[vector<16xi32>, vector<16xi32>], vector<16xf32>,
      %add3A_409 = arith.constant 16 : i32
      %add3A_410 = vector.broadcast %add3A_409 : i32 to vector<16xi32>
      %add3A_411 = arith.addi %iota3A, %add3A_410 : vector<16xi32>
      %gather3A_412 = arith.constant 0 : i32
      %gather3A_413 = arith.constant 0 : i32
      %gather3A_414 = arith.constant 0 : i32
      %gather3A_415 = tpu.memref_slice %arg9[%gather3A_412, %gather3A_413, %gather3A_414] : memref<8x32x128xf32, #tpu.memory_space<vmem>> -> memref<1x32x128xf32, #tpu.memory_space<vmem>>
      %gather3A_416 = tpu.memref_squeeze %gather3A_415 : memref<1x32x128xf32, #tpu.memory_space<vmem>> -> memref<32x128xf32, #tpu.memory_space<vmem>>
      %gather3A_417 = tpu.vector_load_idx %gather3A_416[%add3A_411, %broadcast_in_dim3A_398] : memref<32x128xf32, #tpu.memory_space<vmem>>[vector<16xi32>, vector<16xi32>], vector<16xf32>,
      %gather3A_418 = arith.constant 0 : i32
      %gather3A_419 = arith.constant 0 : i32
      %gather3A_420 = arith.constant 0 : i32
      %gather3A_421 = tpu.memref_slice %arg10[%gather3A_418, %gather3A_419, %gather3A_420] : memref<8x32x128xf32, #tpu.memory_space<vmem>> -> memref<1x32x128xf32, #tpu.memory_space<vmem>>
      %gather3A_422 = tpu.memref_squeeze %gather3A_421 : memref<1x32x128xf32, #tpu.memory_space<vmem>> -> memref<32x128xf32, #tpu.memory_space<vmem>>
      %gather3A_423 = tpu.vector_load_idx %gather3A_422[%iota3A, %broadcast_in_dim3A_403] : memref<32x128xf32, #tpu.memory_space<vmem>>[vector<16xi32>, vector<16xi32>], vector<16xf32>,
      %add3A_424 = arith.constant 16 : i32
      %add3A_425 = vector.broadcast %add3A_424 : i32 to vector<16xi32>
      %add3A_426 = arith.addi %iota3A, %add3A_425 : vector<16xi32>
      %gather3A_427 = arith.constant 0 : i32
      %gather3A_428 = arith.constant 0 : i32
      %gather3A_429 = arith.constant 0 : i32
      %gather3A_430 = tpu.memref_slice %arg10[%gather3A_427, %gather3A_428, %gather3A_429] : memref<8x32x128xf32, #tpu.memory_space<vmem>> -> memref<1x32x128xf32, #tpu.memory_space<vmem>>
      %gather3A_431 = tpu.memref_squeeze %gather3A_430 : memref<1x32x128xf32, #tpu.memory_space<vmem>> -> memref<32x128xf32, #tpu.memory_space<vmem>>
      %gather3A_432 = tpu.vector_load_idx %gather3A_431[%add3A_426, %broadcast_in_dim3A_403] : memref<32x128xf32, #tpu.memory_space<vmem>>[vector<16xi32>, vector<16xi32>], vector<16xf32>,
      %mul3A_433 = arith.mulf %gather3A_408, %gather3A_423 : vector<16xf32>
      %mul3A_434 = arith.mulf %gather3A_417, %gather3A_432 : vector<16xf32>
      %add3A_435 = arith.addf %mul3A_433, %mul3A_434 : vector<16xf32>
      %reduce_sum3A = arith.constant true
      %reduce_sum3A_436 = vector.broadcast %reduce_sum3A : i1 to vector<16xi1>
      %reduce_sum3A_437 = tpu.scan <sum>, %add3A_435 masked %reduce_sum3A_436 : vector<16xf32>, vector<16xi1> -> vector<16xf32>
      %reduce_sum3A_438 = vector.extract %reduce_sum3A_437[15] : f32 from vector<16xf32>
      %add3A_439 = arith.constant 0 : i32
      %add3A_440 = arith.addi %mul3A_364, %add3A_439 : i32
      %eq3A_441 = vector.broadcast %add3A_440 : i32 to vector<16xi32>
      %eq3A_442 = arith.cmpi eq, %iota3A, %eq3A_441 : vector<16xi32>
      %broadcast_in_dim3A_443 = vector.broadcast %reduce_sum3A_438 : f32 to vector<16xf32>
      %select_n3A_444 = arith.select %eq3A_442, %broadcast_in_dim3A_443, %scan3A_333 : vector<16xi1>, vector<16xf32>
      %lt3A_445 = arith.constant 63 : i32
      %lt3A_446 = arith.cmpi slt, %scan3A_332, %lt3A_445 : i32
      %convert_element_type3A = arith.extui %lt3A_446 : i1 to i32
      %cond3A = arith.constant 0 : i32
      %cond3A_447 = arith.cmpi ne, %convert_element_type3A, %cond3A : i32
      scf.if %cond3A_447 {
        %slice3A_1085 = vector.extract_strided_slice %get3A_347 {offsets = [0], sizes = [1], strides = [1]} : vector<16xi32> to vector<1xi32>
        %squeeze3A_1086 = vector.extract %slice3A_1085[0] : i32 from vector<1xi32>
        %slice3A_1087 = vector.extract_strided_slice %get3A_353 {offsets = [0], sizes = [1], strides = [1]} : vector<16xi32> to vector<1xi32>
        %squeeze3A_1088 = vector.extract %slice3A_1087[0] : i32 from vector<1xi32>
        %shift_right_logical3A_1089 = arith.constant 7 : i32
        %shift_right_logical3A_1090 = arith.shrui %squeeze3A_1086, %shift_right_logical3A_1089 : i32
        %mul3A_1091 = arith.constant 128 : i32
        %mul3A_1092 = arith.muli %shift_right_logical3A_1090, %mul3A_1091 : i32
        %multiple_of3A_1093 = tpu.assume_multiple %mul3A_1092, 128 : i32
        %shift_right_logical3A_1094 = arith.constant 7 : i32
        %shift_right_logical3A_1095 = arith.shrui %squeeze3A_1088, %shift_right_logical3A_1094 : i32
        %mul3A_1096 = arith.constant 128 : i32
        %mul3A_1097 = arith.muli %shift_right_logical3A_1095, %mul3A_1096 : i32
        %multiple_of3A_1098 = tpu.assume_multiple %mul3A_1097, 128 : i32
        %dma_start3A_1099 = arith.constant 0 : i32
        %dma_start3A_1100 = arith.constant 0 : i32
        %dma_start3A_1101 = arith.constant 0 : i32
        %dma_start3A_1102 = tpu.memref_slice %arg9[%dma_start3A_1099, %dma_start3A_1100, %dma_start3A_1101] : memref<8x32x128xf32, #tpu.memory_space<vmem>> -> memref<1x32x128xf32, #tpu.memory_space<vmem>>
        %dma_start3A_1103 = tpu.memref_squeeze %dma_start3A_1102 : memref<1x32x128xf32, #tpu.memory_space<vmem>> -> memref<32x128xf32, #tpu.memory_space<vmem>>
        %dma_start3A_1104 = arith.constant 0 : i32
        %dma_start3A_1105 = tpu.memref_slice %arg4[%dma_start3A_1104, %multiple_of3A_1093] : memref<32x1000000xf32, #tpu.memory_space<hbm>> -> memref<32x128xf32, #tpu.memory_space<hbm>>
        %dma_start3A_1106 = arith.constant 0 : i32
        %dma_start3A_1107 = arith.constant 0 : i32
        %dma_start3A_1108 = tpu.memref_slice %arg9[%dma_start3A_1099, %dma_start3A_1106, %dma_start3A_1107] : memref<8x32x128xf32, #tpu.memory_space<vmem>> -> memref<1x32x128xf32, #tpu.memory_space<vmem>>
        %dma_start3A_1109 = tpu.memref_squeeze %dma_start3A_1108 : memref<1x32x128xf32, #tpu.memory_space<vmem>> -> memref<32x128xf32, #tpu.memory_space<vmem>>
        %dma_start3A_1110 = arith.constant 0 : i32
        %dma_start3A_1111 = tpu.memref_slice %arg4[%dma_start3A_1110, %multiple_of3A_1093] : memref<32x1000000xf32, #tpu.memory_space<hbm>> -> memref<32x128xf32, #tpu.memory_space<hbm>>
        tpu.enqueue_dma source(%dma_start3A_1111 : memref<32x128xf32, #tpu.memory_space<hbm>>) target(%dma_start3A_1109 : memref<32x128xf32, #tpu.memory_space<vmem>>) target_semaphore(%arg12 : memref<!tpu.dma_semaphore, #tpu.memory_space<semaphore_mem>>)
        %dma_start3A_1112 = arith.constant 0 : i32
        %dma_start3A_1113 = arith.constant 0 : i32
        %dma_start3A_1114 = arith.constant 0 : i32
        %dma_start3A_1115 = tpu.memref_slice %arg10[%dma_start3A_1112, %dma_start3A_1113, %dma_start3A_1114] : memref<8x32x128xf32, #tpu.memory_space<vmem>> -> memref<1x32x128xf32, #tpu.memory_space<vmem>>
        %dma_start3A_1116 = tpu.memref_squeeze %dma_start3A_1115 : memref<1x32x128xf32, #tpu.memory_space<vmem>> -> memref<32x128xf32, #tpu.memory_space<vmem>>
        %dma_start3A_1117 = arith.constant 0 : i32
        %dma_start3A_1118 = tpu.memref_slice %arg5[%dma_start3A_1117, %multiple_of3A_1098] : memref<32x1000000xf32, #tpu.memory_space<hbm>> -> memref<32x128xf32, #tpu.memory_space<hbm>>
        %dma_start3A_1119 = arith.constant 0 : i32
        %dma_start3A_1120 = arith.constant 0 : i32
        %dma_start3A_1121 = tpu.memref_slice %arg10[%dma_start3A_1112, %dma_start3A_1119, %dma_start3A_1120] : memref<8x32x128xf32, #tpu.memory_space<vmem>> -> memref<1x32x128xf32, #tpu.memory_space<vmem>>
        %dma_start3A_1122 = tpu.memref_squeeze %dma_start3A_1121 : memref<1x32x128xf32, #tpu.memory_space<vmem>> -> memref<32x128xf32, #tpu.memory_space<vmem>>
        %dma_start3A_1123 = arith.constant 0 : i32
        %dma_start3A_1124 = tpu.memref_slice %arg5[%dma_start3A_1123, %multiple_of3A_1098] : memref<32x1000000xf32, #tpu.memory_space<hbm>> -> memref<32x128xf32, #tpu.memory_space<hbm>>
        tpu.enqueue_dma source(%dma_start3A_1124 : memref<32x128xf32, #tpu.memory_space<hbm>>) target(%dma_start3A_1122 : memref<32x128xf32, #tpu.memory_space<vmem>>) target_semaphore(%arg12 : memref<!tpu.dma_semaphore, #tpu.memory_space<semaphore_mem>>)
      } else {
      }
      %dma_wait3A_448 = arith.constant 1 : i32
      %dma_wait3A_449 = arith.constant 0 : i32
      %dma_wait3A_450 = arith.constant 0 : i32
      %dma_wait3A_451 = tpu.memref_slice %arg9[%dma_wait3A_448, %dma_wait3A_449, %dma_wait3A_450] : memref<8x32x128xf32, #tpu.memory_space<vmem>> -> memref<1x32x128xf32, #tpu.memory_space<vmem>>
      %dma_wait3A_452 = tpu.memref_squeeze %dma_wait3A_451 : memref<1x32x128xf32, #tpu.memory_space<vmem>> -> memref<32x128xf32, #tpu.memory_space<vmem>>
      %dma_wait3A_453 = arith.constant 0 : i32
      %dma_wait3A_454 = arith.constant 0 : i32
      %dma_wait3A_455 = tpu.memref_slice %arg4[%dma_wait3A_453, %dma_wait3A_454] : memref<32x1000000xf32, #tpu.memory_space<hbm>> -> memref<32x128xf32, #tpu.memory_space<hbm>>
      %dma_wait3A_456 = arith.constant 0 : i32
      %dma_wait3A_457 = arith.constant 0 : i32
      %dma_wait3A_458 = tpu.memref_slice %arg9[%dma_wait3A_448, %dma_wait3A_456, %dma_wait3A_457] : memref<8x32x128xf32, #tpu.memory_space<vmem>> -> memref<1x32x128xf32, #tpu.memory_space<vmem>>
      %dma_wait3A_459 = tpu.memref_squeeze %dma_wait3A_458 : memref<1x32x128xf32, #tpu.memory_space<vmem>> -> memref<32x128xf32, #tpu.memory_space<vmem>>
      %dma_wait3A_460 = arith.constant 0 : i32
      %dma_wait3A_461 = arith.constant 0 : i32
      %dma_wait3A_462 = tpu.memref_slice %arg4[%dma_wait3A_460, %dma_wait3A_461] : memref<32x1000000xf32, #tpu.memory_space<hbm>> -> memref<32x128xf32, #tpu.memory_space<hbm>>
      tpu.wait_dma2 semaphore(%arg13 : memref<!tpu.dma_semaphore, #tpu.memory_space<semaphore_mem>>) src(%dma_wait3A_462 : memref<32x128xf32, #tpu.memory_space<hbm>>) dst(%dma_wait3A_459 : memref<32x128xf32, #tpu.memory_space<vmem>>)
      %dma_wait3A_463 = arith.constant 1 : i32
      %dma_wait3A_464 = arith.constant 0 : i32
      %dma_wait3A_465 = arith.constant 0 : i32
      %dma_wait3A_466 = tpu.memref_slice %arg10[%dma_wait3A_463, %dma_wait3A_464, %dma_wait3A_465] : memref<8x32x128xf32, #tpu.memory_space<vmem>> -> memref<1x32x128xf32, #tpu.memory_space<vmem>>
      %dma_wait3A_467 = tpu.memref_squeeze %dma_wait3A_466 : memref<1x32x128xf32, #tpu.memory_space<vmem>> -> memref<32x128xf32, #tpu.memory_space<vmem>>
      %dma_wait3A_468 = arith.constant 0 : i32
      %dma_wait3A_469 = arith.constant 0 : i32
      %dma_wait3A_470 = tpu.memref_slice %arg5[%dma_wait3A_468, %dma_wait3A_469] : memref<32x1000000xf32, #tpu.memory_space<hbm>> -> memref<32x128xf32, #tpu.memory_space<hbm>>
      %dma_wait3A_471 = arith.constant 0 : i32
      %dma_wait3A_472 = arith.constant 0 : i32
      %dma_wait3A_473 = tpu.memref_slice %arg10[%dma_wait3A_463, %dma_wait3A_471, %dma_wait3A_472] : memref<8x32x128xf32, #tpu.memory_space<vmem>> -> memref<1x32x128xf32, #tpu.memory_space<vmem>>
      %dma_wait3A_474 = tpu.memref_squeeze %dma_wait3A_473 : memref<1x32x128xf32, #tpu.memory_space<vmem>> -> memref<32x128xf32, #tpu.memory_space<vmem>>
      %dma_wait3A_475 = arith.constant 0 : i32
      %dma_wait3A_476 = arith.constant 0 : i32
      %dma_wait3A_477 = tpu.memref_slice %arg5[%dma_wait3A_475, %dma_wait3A_476] : memref<32x1000000xf32, #tpu.memory_space<hbm>> -> memref<32x128xf32, #tpu.memory_space<hbm>>
      tpu.wait_dma2 semaphore(%arg13 : memref<!tpu.dma_semaphore, #tpu.memory_space<semaphore_mem>>) src(%dma_wait3A_477 : memref<32x128xf32, #tpu.memory_space<hbm>>) dst(%dma_wait3A_474 : memref<32x128xf32, #tpu.memory_space<vmem>>)
      %slice3A_478 = vector.extract_strided_slice %get3A_337 {offsets = [1], sizes = [1], strides = [1]} : vector<16xi32> to vector<1xi32>
      %squeeze3A_479 = vector.extract %slice3A_478[0] : i32 from vector<1xi32>
      %and3A_480 = arith.constant 127 : i32
      %and3A_481 = arith.andi %squeeze3A_479, %and3A_480 : i32
      %broadcast_in_dim3A_482 = vector.broadcast %and3A_481 : i32 to vector<16xi32>
      %slice3A_483 = vector.extract_strided_slice %get3A_341 {offsets = [1], sizes = [1], strides = [1]} : vector<16xi32> to vector<1xi32>
      %squeeze3A_484 = vector.extract %slice3A_483[0] : i32 from vector<1xi32>
      %and3A_485 = arith.constant 127 : i32
      %and3A_486 = arith.andi %squeeze3A_484, %and3A_485 : i32
      %broadcast_in_dim3A_487 = vector.broadcast %and3A_486 : i32 to vector<16xi32>
      %gather3A_488 = arith.constant 1 : i32
      %gather3A_489 = arith.constant 0 : i32
      %gather3A_490 = arith.constant 0 : i32
      %gather3A_491 = tpu.memref_slice %arg9[%gather3A_488, %gather3A_489, %gather3A_490] : memref<8x32x128xf32, #tpu.memory_space<vmem>> -> memref<1x32x128xf32, #tpu.memory_space<vmem>>
      %gather3A_492 = tpu.memref_squeeze %gather3A_491 : memref<1x32x128xf32, #tpu.memory_space<vmem>> -> memref<32x128xf32, #tpu.memory_space<vmem>>
      %gather3A_493 = tpu.vector_load_idx %gather3A_492[%iota3A, %broadcast_in_dim3A_482] : memref<32x128xf32, #tpu.memory_space<vmem>>[vector<16xi32>, vector<16xi32>], vector<16xf32>,
      %add3A_494 = arith.constant 16 : i32
      %add3A_495 = vector.broadcast %add3A_494 : i32 to vector<16xi32>
      %add3A_496 = arith.addi %iota3A, %add3A_495 : vector<16xi32>
      %gather3A_497 = arith.constant 1 : i32
      %gather3A_498 = arith.constant 0 : i32
      %gather3A_499 = arith.constant 0 : i32
      %gather3A_500 = tpu.memref_slice %arg9[%gather3A_497, %gather3A_498, %gather3A_499] : memref<8x32x128xf32, #tpu.memory_space<vmem>> -> memref<1x32x128xf32, #tpu.memory_space<vmem>>
      %gather3A_501 = tpu.memref_squeeze %gather3A_500 : memref<1x32x128xf32, #tpu.memory_space<vmem>> -> memref<32x128xf32, #tpu.memory_space<vmem>>
      %gather3A_502 = tpu.vector_load_idx %gather3A_501[%add3A_496, %broadcast_in_dim3A_482] : memref<32x128xf32, #tpu.memory_space<vmem>>[vector<16xi32>, vector<16xi32>], vector<16xf32>,
      %gather3A_503 = arith.constant 1 : i32
      %gather3A_504 = arith.constant 0 : i32
      %gather3A_505 = arith.constant 0 : i32
      %gather3A_506 = tpu.memref_slice %arg10[%gather3A_503, %gather3A_504, %gather3A_505] : memref<8x32x128xf32, #tpu.memory_space<vmem>> -> memref<1x32x128xf32, #tpu.memory_space<vmem>>
      %gather3A_507 = tpu.memref_squeeze %gather3A_506 : memref<1x32x128xf32, #tpu.memory_space<vmem>> -> memref<32x128xf32, #tpu.memory_space<vmem>>
      %gather3A_508 = tpu.vector_load_idx %gather3A_507[%iota3A, %broadcast_in_dim3A_487] : memref<32x128xf32, #tpu.memory_space<vmem>>[vector<16xi32>, vector<16xi32>], vector<16xf32>,
      %add3A_509 = arith.constant 16 : i32
      %add3A_510 = vector.broadcast %add3A_509 : i32 to vector<16xi32>
      %add3A_511 = arith.addi %iota3A, %add3A_510 : vector<16xi32>
      %gather3A_512 = arith.constant 1 : i32
      %gather3A_513 = arith.constant 0 : i32
      %gather3A_514 = arith.constant 0 : i32
      %gather3A_515 = tpu.memref_slice %arg10[%gather3A_512, %gather3A_513, %gather3A_514] : memref<8x32x128xf32, #tpu.memory_space<vmem>> -> memref<1x32x128xf32, #tpu.memory_space<vmem>>
      %gather3A_516 = tpu.memref_squeeze %gather3A_515 : memref<1x32x128xf32, #tpu.memory_space<vmem>> -> memref<32x128xf32, #tpu.memory_space<vmem>>
      %gather3A_517 = tpu.vector_load_idx %gather3A_516[%add3A_511, %broadcast_in_dim3A_487] : memref<32x128xf32, #tpu.memory_space<vmem>>[vector<16xi32>, vector<16xi32>], vector<16xf32>,
      %mul3A_518 = arith.mulf %gather3A_493, %gather3A_508 : vector<16xf32>
      %mul3A_519 = arith.mulf %gather3A_502, %gather3A_517 : vector<16xf32>
      %add3A_520 = arith.addf %mul3A_518, %mul3A_519 : vector<16xf32>
      %reduce_sum3A_521 = arith.constant true
      %reduce_sum3A_522 = vector.broadcast %reduce_sum3A_521 : i1 to vector<16xi1>
      %reduce_sum3A_523 = tpu.scan <sum>, %add3A_520 masked %reduce_sum3A_522 : vector<16xf32>, vector<16xi1> -> vector<16xf32>
      %reduce_sum3A_524 = vector.extract %reduce_sum3A_523[15] : f32 from vector<16xf32>
      %add3A_525 = arith.constant 1 : i32
      %add3A_526 = arith.addi %mul3A_364, %add3A_525 : i32
      %eq3A_527 = vector.broadcast %add3A_526 : i32 to vector<16xi32>
      %eq3A_528 = arith.cmpi eq, %iota3A, %eq3A_527 : vector<16xi32>
      %broadcast_in_dim3A_529 = vector.broadcast %reduce_sum3A_524 : f32 to vector<16xf32>
      %select_n3A_530 = arith.select %eq3A_528, %broadcast_in_dim3A_529, %select_n3A_444 : vector<16xi1>, vector<16xf32>
      %lt3A_531 = arith.constant 63 : i32
      %lt3A_532 = arith.cmpi slt, %scan3A_332, %lt3A_531 : i32
      %convert_element_type3A_533 = arith.extui %lt3A_532 : i1 to i32
      %cond3A_534 = arith.constant 0 : i32
      %cond3A_535 = arith.cmpi ne, %convert_element_type3A_533, %cond3A_534 : i32
      scf.if %cond3A_535 {
        %slice3A_1085 = vector.extract_strided_slice %get3A_347 {offsets = [1], sizes = [1], strides = [1]} : vector<16xi32> to vector<1xi32>
        %squeeze3A_1086 = vector.extract %slice3A_1085[0] : i32 from vector<1xi32>
        %slice3A_1087 = vector.extract_strided_slice %get3A_353 {offsets = [1], sizes = [1], strides = [1]} : vector<16xi32> to vector<1xi32>
        %squeeze3A_1088 = vector.extract %slice3A_1087[0] : i32 from vector<1xi32>
        %shift_right_logical3A_1089 = arith.constant 7 : i32
        %shift_right_logical3A_1090 = arith.shrui %squeeze3A_1086, %shift_right_logical3A_1089 : i32
        %mul3A_1091 = arith.constant 128 : i32
        %mul3A_1092 = arith.muli %shift_right_logical3A_1090, %mul3A_1091 : i32
        %multiple_of3A_1093 = tpu.assume_multiple %mul3A_1092, 128 : i32
        %shift_right_logical3A_1094 = arith.constant 7 : i32
        %shift_right_logical3A_1095 = arith.shrui %squeeze3A_1088, %shift_right_logical3A_1094 : i32
        %mul3A_1096 = arith.constant 128 : i32
        %mul3A_1097 = arith.muli %shift_right_logical3A_1095, %mul3A_1096 : i32
        %multiple_of3A_1098 = tpu.assume_multiple %mul3A_1097, 128 : i32
        %dma_start3A_1099 = arith.constant 1 : i32
        %dma_start3A_1100 = arith.constant 0 : i32
        %dma_start3A_1101 = arith.constant 0 : i32
        %dma_start3A_1102 = tpu.memref_slice %arg9[%dma_start3A_1099, %dma_start3A_1100, %dma_start3A_1101] : memref<8x32x128xf32, #tpu.memory_space<vmem>> -> memref<1x32x128xf32, #tpu.memory_space<vmem>>
        %dma_start3A_1103 = tpu.memref_squeeze %dma_start3A_1102 : memref<1x32x128xf32, #tpu.memory_space<vmem>> -> memref<32x128xf32, #tpu.memory_space<vmem>>
        %dma_start3A_1104 = arith.constant 0 : i32
        %dma_start3A_1105 = tpu.memref_slice %arg4[%dma_start3A_1104, %multiple_of3A_1093] : memref<32x1000000xf32, #tpu.memory_space<hbm>> -> memref<32x128xf32, #tpu.memory_space<hbm>>
        %dma_start3A_1106 = arith.constant 0 : i32
        %dma_start3A_1107 = arith.constant 0 : i32
        %dma_start3A_1108 = tpu.memref_slice %arg9[%dma_start3A_1099, %dma_start3A_1106, %dma_start3A_1107] : memref<8x32x128xf32, #tpu.memory_space<vmem>> -> memref<1x32x128xf32, #tpu.memory_space<vmem>>
        %dma_start3A_1109 = tpu.memref_squeeze %dma_start3A_1108 : memref<1x32x128xf32, #tpu.memory_space<vmem>> -> memref<32x128xf32, #tpu.memory_space<vmem>>
        %dma_start3A_1110 = arith.constant 0 : i32
        %dma_start3A_1111 = tpu.memref_slice %arg4[%dma_start3A_1110, %multiple_of3A_1093] : memref<32x1000000xf32, #tpu.memory_space<hbm>> -> memref<32x128xf32, #tpu.memory_space<hbm>>
        tpu.enqueue_dma source(%dma_start3A_1111 : memref<32x128xf32, #tpu.memory_space<hbm>>) target(%dma_start3A_1109 : memref<32x128xf32, #tpu.memory_space<vmem>>) target_semaphore(%arg13 : memref<!tpu.dma_semaphore, #tpu.memory_space<semaphore_mem>>)
        %dma_start3A_1112 = arith.constant 1 : i32
        %dma_start3A_1113 = arith.constant 0 : i32
        %dma_start3A_1114 = arith.constant 0 : i32
        %dma_start3A_1115 = tpu.memref_slice %arg10[%dma_start3A_1112, %dma_start3A_1113, %dma_start3A_1114] : memref<8x32x128xf32, #tpu.memory_space<vmem>> -> memref<1x32x128xf32, #tpu.memory_space<vmem>>
        %dma_start3A_1116 = tpu.memref_squeeze %dma_start3A_1115 : memref<1x32x128xf32, #tpu.memory_space<vmem>> -> memref<32x128xf32, #tpu.memory_space<vmem>>
        %dma_start3A_1117 = arith.constant 0 : i32
        %dma_start3A_1118 = tpu.memref_slice %arg5[%dma_start3A_1117, %multiple_of3A_1098] : memref<32x1000000xf32, #tpu.memory_space<hbm>> -> memref<32x128xf32, #tpu.memory_space<hbm>>
        %dma_start3A_1119 = arith.constant 0 : i32
        %dma_start3A_1120 = arith.constant 0 : i32
        %dma_start3A_1121 = tpu.memref_slice %arg10[%dma_start3A_1112, %dma_start3A_1119, %dma_start3A_1120] : memref<8x32x128xf32, #tpu.memory_space<vmem>> -> memref<1x32x128xf32, #tpu.memory_space<vmem>>
        %dma_start3A_1122 = tpu.memref_squeeze %dma_start3A_1121 : memref<1x32x128xf32, #tpu.memory_space<vmem>> -> memref<32x128xf32, #tpu.memory_space<vmem>>
        %dma_start3A_1123 = arith.constant 0 : i32
        %dma_start3A_1124 = tpu.memref_slice %arg5[%dma_start3A_1123, %multiple_of3A_1098] : memref<32x1000000xf32, #tpu.memory_space<hbm>> -> memref<32x128xf32, #tpu.memory_space<hbm>>
        tpu.enqueue_dma source(%dma_start3A_1124 : memref<32x128xf32, #tpu.memory_space<hbm>>) target(%dma_start3A_1122 : memref<32x128xf32, #tpu.memory_space<vmem>>) target_semaphore(%arg13 : memref<!tpu.dma_semaphore, #tpu.memory_space<semaphore_mem>>)
      } else {
      }
      %dma_wait3A_536 = arith.constant 2 : i32
      %dma_wait3A_537 = arith.constant 0 : i32
      %dma_wait3A_538 = arith.constant 0 : i32
      %dma_wait3A_539 = tpu.memref_slice %arg9[%dma_wait3A_536, %dma_wait3A_537, %dma_wait3A_538] : memref<8x32x128xf32, #tpu.memory_space<vmem>> -> memref<1x32x128xf32, #tpu.memory_space<vmem>>
      %dma_wait3A_540 = tpu.memref_squeeze %dma_wait3A_539 : memref<1x32x128xf32, #tpu.memory_space<vmem>> -> memref<32x128xf32, #tpu.memory_space<vmem>>
      %dma_wait3A_541 = arith.constant 0 : i32
      %dma_wait3A_542 = arith.constant 0 : i32
      %dma_wait3A_543 = tpu.memref_slice %arg4[%dma_wait3A_541, %dma_wait3A_542] : memref<32x1000000xf32, #tpu.memory_space<hbm>> -> memref<32x128xf32, #tpu.memory_space<hbm>>
      %dma_wait3A_544 = arith.constant 0 : i32
      %dma_wait3A_545 = arith.constant 0 : i32
      %dma_wait3A_546 = tpu.memref_slice %arg9[%dma_wait3A_536, %dma_wait3A_544, %dma_wait3A_545] : memref<8x32x128xf32, #tpu.memory_space<vmem>> -> memref<1x32x128xf32, #tpu.memory_space<vmem>>
      %dma_wait3A_547 = tpu.memref_squeeze %dma_wait3A_546 : memref<1x32x128xf32, #tpu.memory_space<vmem>> -> memref<32x128xf32, #tpu.memory_space<vmem>>
      %dma_wait3A_548 = arith.constant 0 : i32
      %dma_wait3A_549 = arith.constant 0 : i32
      %dma_wait3A_550 = tpu.memref_slice %arg4[%dma_wait3A_548, %dma_wait3A_549] : memref<32x1000000xf32, #tpu.memory_space<hbm>> -> memref<32x128xf32, #tpu.memory_space<hbm>>
      tpu.wait_dma2 semaphore(%arg14 : memref<!tpu.dma_semaphore, #tpu.memory_space<semaphore_mem>>) src(%dma_wait3A_550 : memref<32x128xf32, #tpu.memory_space<hbm>>) dst(%dma_wait3A_547 : memref<32x128xf32, #tpu.memory_space<vmem>>)
      %dma_wait3A_551 = arith.constant 2 : i32
      %dma_wait3A_552 = arith.constant 0 : i32
      %dma_wait3A_553 = arith.constant 0 : i32
      %dma_wait3A_554 = tpu.memref_slice %arg10[%dma_wait3A_551, %dma_wait3A_552, %dma_wait3A_553] : memref<8x32x128xf32, #tpu.memory_space<vmem>> -> memref<1x32x128xf32, #tpu.memory_space<vmem>>
      %dma_wait3A_555 = tpu.memref_squeeze %dma_wait3A_554 : memref<1x32x128xf32, #tpu.memory_space<vmem>> -> memref<32x128xf32, #tpu.memory_space<vmem>>
      %dma_wait3A_556 = arith.constant 0 : i32
      %dma_wait3A_557 = arith.constant 0 : i32
      %dma_wait3A_558 = tpu.memref_slice %arg5[%dma_wait3A_556, %dma_wait3A_557] : memref<32x1000000xf32, #tpu.memory_space<hbm>> -> memref<32x128xf32, #tpu.memory_space<hbm>>
      %dma_wait3A_559 = arith.constant 0 : i32
      %dma_wait3A_560 = arith.constant 0 : i32
      %dma_wait3A_561 = tpu.memref_slice %arg10[%dma_wait3A_551, %dma_wait3A_559, %dma_wait3A_560] : memref<8x32x128xf32, #tpu.memory_space<vmem>> -> memref<1x32x128xf32, #tpu.memory_space<vmem>>
      %dma_wait3A_562 = tpu.memref_squeeze %dma_wait3A_561 : memref<1x32x128xf32, #tpu.memory_space<vmem>> -> memref<32x128xf32, #tpu.memory_space<vmem>>
      %dma_wait3A_563 = arith.constant 0 : i32
      %dma_wait3A_564 = arith.constant 0 : i32
      %dma_wait3A_565 = tpu.memref_slice %arg5[%dma_wait3A_563, %dma_wait3A_564] : memref<32x1000000xf32, #tpu.memory_space<hbm>> -> memref<32x128xf32, #tpu.memory_space<hbm>>
      tpu.wait_dma2 semaphore(%arg14 : memref<!tpu.dma_semaphore, #tpu.memory_space<semaphore_mem>>) src(%dma_wait3A_565 : memref<32x128xf32, #tpu.memory_space<hbm>>) dst(%dma_wait3A_562 : memref<32x128xf32, #tpu.memory_space<vmem>>)
      %slice3A_566 = vector.extract_strided_slice %get3A_337 {offsets = [2], sizes = [1], strides = [1]} : vector<16xi32> to vector<1xi32>
      %squeeze3A_567 = vector.extract %slice3A_566[0] : i32 from vector<1xi32>
      %and3A_568 = arith.constant 127 : i32
      %and3A_569 = arith.andi %squeeze3A_567, %and3A_568 : i32
      %broadcast_in_dim3A_570 = vector.broadcast %and3A_569 : i32 to vector<16xi32>
      %slice3A_571 = vector.extract_strided_slice %get3A_341 {offsets = [2], sizes = [1], strides = [1]} : vector<16xi32> to vector<1xi32>
      %squeeze3A_572 = vector.extract %slice3A_571[0] : i32 from vector<1xi32>
      %and3A_573 = arith.constant 127 : i32
      %and3A_574 = arith.andi %squeeze3A_572, %and3A_573 : i32
      %broadcast_in_dim3A_575 = vector.broadcast %and3A_574 : i32 to vector<16xi32>
      %gather3A_576 = arith.constant 2 : i32
      %gather3A_577 = arith.constant 0 : i32
      %gather3A_578 = arith.constant 0 : i32
      %gather3A_579 = tpu.memref_slice %arg9[%gather3A_576, %gather3A_577, %gather3A_578] : memref<8x32x128xf32, #tpu.memory_space<vmem>> -> memref<1x32x128xf32, #tpu.memory_space<vmem>>
      %gather3A_580 = tpu.memref_squeeze %gather3A_579 : memref<1x32x128xf32, #tpu.memory_space<vmem>> -> memref<32x128xf32, #tpu.memory_space<vmem>>
      %gather3A_581 = tpu.vector_load_idx %gather3A_580[%iota3A, %broadcast_in_dim3A_570] : memref<32x128xf32, #tpu.memory_space<vmem>>[vector<16xi32>, vector<16xi32>], vector<16xf32>,
      %add3A_582 = arith.constant 16 : i32
      %add3A_583 = vector.broadcast %add3A_582 : i32 to vector<16xi32>
      %add3A_584 = arith.addi %iota3A, %add3A_583 : vector<16xi32>
      %gather3A_585 = arith.constant 2 : i32
      %gather3A_586 = arith.constant 0 : i32
      %gather3A_587 = arith.constant 0 : i32
      %gather3A_588 = tpu.memref_slice %arg9[%gather3A_585, %gather3A_586, %gather3A_587] : memref<8x32x128xf32, #tpu.memory_space<vmem>> -> memref<1x32x128xf32, #tpu.memory_space<vmem>>
      %gather3A_589 = tpu.memref_squeeze %gather3A_588 : memref<1x32x128xf32, #tpu.memory_space<vmem>> -> memref<32x128xf32, #tpu.memory_space<vmem>>
      %gather3A_590 = tpu.vector_load_idx %gather3A_589[%add3A_584, %broadcast_in_dim3A_570] : memref<32x128xf32, #tpu.memory_space<vmem>>[vector<16xi32>, vector<16xi32>], vector<16xf32>,
      %gather3A_591 = arith.constant 2 : i32
      %gather3A_592 = arith.constant 0 : i32
      %gather3A_593 = arith.constant 0 : i32
      %gather3A_594 = tpu.memref_slice %arg10[%gather3A_591, %gather3A_592, %gather3A_593] : memref<8x32x128xf32, #tpu.memory_space<vmem>> -> memref<1x32x128xf32, #tpu.memory_space<vmem>>
      %gather3A_595 = tpu.memref_squeeze %gather3A_594 : memref<1x32x128xf32, #tpu.memory_space<vmem>> -> memref<32x128xf32, #tpu.memory_space<vmem>>
      %gather3A_596 = tpu.vector_load_idx %gather3A_595[%iota3A, %broadcast_in_dim3A_575] : memref<32x128xf32, #tpu.memory_space<vmem>>[vector<16xi32>, vector<16xi32>], vector<16xf32>,
      %add3A_597 = arith.constant 16 : i32
      %add3A_598 = vector.broadcast %add3A_597 : i32 to vector<16xi32>
      %add3A_599 = arith.addi %iota3A, %add3A_598 : vector<16xi32>
      %gather3A_600 = arith.constant 2 : i32
      %gather3A_601 = arith.constant 0 : i32
      %gather3A_602 = arith.constant 0 : i32
      %gather3A_603 = tpu.memref_slice %arg10[%gather3A_600, %gather3A_601, %gather3A_602] : memref<8x32x128xf32, #tpu.memory_space<vmem>> -> memref<1x32x128xf32, #tpu.memory_space<vmem>>
      %gather3A_604 = tpu.memref_squeeze %gather3A_603 : memref<1x32x128xf32, #tpu.memory_space<vmem>> -> memref<32x128xf32, #tpu.memory_space<vmem>>
      %gather3A_605 = tpu.vector_load_idx %gather3A_604[%add3A_599, %broadcast_in_dim3A_575] : memref<32x128xf32, #tpu.memory_space<vmem>>[vector<16xi32>, vector<16xi32>], vector<16xf32>,
      %mul3A_606 = arith.mulf %gather3A_581, %gather3A_596 : vector<16xf32>
      %mul3A_607 = arith.mulf %gather3A_590, %gather3A_605 : vector<16xf32>
      %add3A_608 = arith.addf %mul3A_606, %mul3A_607 : vector<16xf32>
      %reduce_sum3A_609 = arith.constant true
      %reduce_sum3A_610 = vector.broadcast %reduce_sum3A_609 : i1 to vector<16xi1>
      %reduce_sum3A_611 = tpu.scan <sum>, %add3A_608 masked %reduce_sum3A_610 : vector<16xf32>, vector<16xi1> -> vector<16xf32>
      %reduce_sum3A_612 = vector.extract %reduce_sum3A_611[15] : f32 from vector<16xf32>
      %add3A_613 = arith.constant 2 : i32
      %add3A_614 = arith.addi %mul3A_364, %add3A_613 : i32
      %eq3A_615 = vector.broadcast %add3A_614 : i32 to vector<16xi32>
      %eq3A_616 = arith.cmpi eq, %iota3A, %eq3A_615 : vector<16xi32>
      %broadcast_in_dim3A_617 = vector.broadcast %reduce_sum3A_612 : f32 to vector<16xf32>
      %select_n3A_618 = arith.select %eq3A_616, %broadcast_in_dim3A_617, %select_n3A_530 : vector<16xi1>, vector<16xf32>
      %lt3A_619 = arith.constant 63 : i32
      %lt3A_620 = arith.cmpi slt, %scan3A_332, %lt3A_619 : i32
      %convert_element_type3A_621 = arith.extui %lt3A_620 : i1 to i32
      %cond3A_622 = arith.constant 0 : i32
      %cond3A_623 = arith.cmpi ne, %convert_element_type3A_621, %cond3A_622 : i32
      scf.if %cond3A_623 {
        %slice3A_1085 = vector.extract_strided_slice %get3A_347 {offsets = [2], sizes = [1], strides = [1]} : vector<16xi32> to vector<1xi32>
        %squeeze3A_1086 = vector.extract %slice3A_1085[0] : i32 from vector<1xi32>
        %slice3A_1087 = vector.extract_strided_slice %get3A_353 {offsets = [2], sizes = [1], strides = [1]} : vector<16xi32> to vector<1xi32>
        %squeeze3A_1088 = vector.extract %slice3A_1087[0] : i32 from vector<1xi32>
        %shift_right_logical3A_1089 = arith.constant 7 : i32
        %shift_right_logical3A_1090 = arith.shrui %squeeze3A_1086, %shift_right_logical3A_1089 : i32
        %mul3A_1091 = arith.constant 128 : i32
        %mul3A_1092 = arith.muli %shift_right_logical3A_1090, %mul3A_1091 : i32
        %multiple_of3A_1093 = tpu.assume_multiple %mul3A_1092, 128 : i32
        %shift_right_logical3A_1094 = arith.constant 7 : i32
        %shift_right_logical3A_1095 = arith.shrui %squeeze3A_1088, %shift_right_logical3A_1094 : i32
        %mul3A_1096 = arith.constant 128 : i32
        %mul3A_1097 = arith.muli %shift_right_logical3A_1095, %mul3A_1096 : i32
        %multiple_of3A_1098 = tpu.assume_multiple %mul3A_1097, 128 : i32
        %dma_start3A_1099 = arith.constant 2 : i32
        %dma_start3A_1100 = arith.constant 0 : i32
        %dma_start3A_1101 = arith.constant 0 : i32
        %dma_start3A_1102 = tpu.memref_slice %arg9[%dma_start3A_1099, %dma_start3A_1100, %dma_start3A_1101] : memref<8x32x128xf32, #tpu.memory_space<vmem>> -> memref<1x32x128xf32, #tpu.memory_space<vmem>>
        %dma_start3A_1103 = tpu.memref_squeeze %dma_start3A_1102 : memref<1x32x128xf32, #tpu.memory_space<vmem>> -> memref<32x128xf32, #tpu.memory_space<vmem>>
        %dma_start3A_1104 = arith.constant 0 : i32
        %dma_start3A_1105 = tpu.memref_slice %arg4[%dma_start3A_1104, %multiple_of3A_1093] : memref<32x1000000xf32, #tpu.memory_space<hbm>> -> memref<32x128xf32, #tpu.memory_space<hbm>>
        %dma_start3A_1106 = arith.constant 0 : i32
        %dma_start3A_1107 = arith.constant 0 : i32
        %dma_start3A_1108 = tpu.memref_slice %arg9[%dma_start3A_1099, %dma_start3A_1106, %dma_start3A_1107] : memref<8x32x128xf32, #tpu.memory_space<vmem>> -> memref<1x32x128xf32, #tpu.memory_space<vmem>>
        %dma_start3A_1109 = tpu.memref_squeeze %dma_start3A_1108 : memref<1x32x128xf32, #tpu.memory_space<vmem>> -> memref<32x128xf32, #tpu.memory_space<vmem>>
        %dma_start3A_1110 = arith.constant 0 : i32
        %dma_start3A_1111 = tpu.memref_slice %arg4[%dma_start3A_1110, %multiple_of3A_1093] : memref<32x1000000xf32, #tpu.memory_space<hbm>> -> memref<32x128xf32, #tpu.memory_space<hbm>>
        tpu.enqueue_dma source(%dma_start3A_1111 : memref<32x128xf32, #tpu.memory_space<hbm>>) target(%dma_start3A_1109 : memref<32x128xf32, #tpu.memory_space<vmem>>) target_semaphore(%arg14 : memref<!tpu.dma_semaphore, #tpu.memory_space<semaphore_mem>>)
        %dma_start3A_1112 = arith.constant 2 : i32
        %dma_start3A_1113 = arith.constant 0 : i32
        %dma_start3A_1114 = arith.constant 0 : i32
        %dma_start3A_1115 = tpu.memref_slice %arg10[%dma_start3A_1112, %dma_start3A_1113, %dma_start3A_1114] : memref<8x32x128xf32, #tpu.memory_space<vmem>> -> memref<1x32x128xf32, #tpu.memory_space<vmem>>
        %dma_start3A_1116 = tpu.memref_squeeze %dma_start3A_1115 : memref<1x32x128xf32, #tpu.memory_space<vmem>> -> memref<32x128xf32, #tpu.memory_space<vmem>>
        %dma_start3A_1117 = arith.constant 0 : i32
        %dma_start3A_1118 = tpu.memref_slice %arg5[%dma_start3A_1117, %multiple_of3A_1098] : memref<32x1000000xf32, #tpu.memory_space<hbm>> -> memref<32x128xf32, #tpu.memory_space<hbm>>
        %dma_start3A_1119 = arith.constant 0 : i32
        %dma_start3A_1120 = arith.constant 0 : i32
        %dma_start3A_1121 = tpu.memref_slice %arg10[%dma_start3A_1112, %dma_start3A_1119, %dma_start3A_1120] : memref<8x32x128xf32, #tpu.memory_space<vmem>> -> memref<1x32x128xf32, #tpu.memory_space<vmem>>
        %dma_start3A_1122 = tpu.memref_squeeze %dma_start3A_1121 : memref<1x32x128xf32, #tpu.memory_space<vmem>> -> memref<32x128xf32, #tpu.memory_space<vmem>>
        %dma_start3A_1123 = arith.constant 0 : i32
        %dma_start3A_1124 = tpu.memref_slice %arg5[%dma_start3A_1123, %multiple_of3A_1098] : memref<32x1000000xf32, #tpu.memory_space<hbm>> -> memref<32x128xf32, #tpu.memory_space<hbm>>
        tpu.enqueue_dma source(%dma_start3A_1124 : memref<32x128xf32, #tpu.memory_space<hbm>>) target(%dma_start3A_1122 : memref<32x128xf32, #tpu.memory_space<vmem>>) target_semaphore(%arg14 : memref<!tpu.dma_semaphore, #tpu.memory_space<semaphore_mem>>)
      } else {
      }
      %dma_wait3A_624 = arith.constant 3 : i32
      %dma_wait3A_625 = arith.constant 0 : i32
      %dma_wait3A_626 = arith.constant 0 : i32
      %dma_wait3A_627 = tpu.memref_slice %arg9[%dma_wait3A_624, %dma_wait3A_625, %dma_wait3A_626] : memref<8x32x128xf32, #tpu.memory_space<vmem>> -> memref<1x32x128xf32, #tpu.memory_space<vmem>>
      %dma_wait3A_628 = tpu.memref_squeeze %dma_wait3A_627 : memref<1x32x128xf32, #tpu.memory_space<vmem>> -> memref<32x128xf32, #tpu.memory_space<vmem>>
      %dma_wait3A_629 = arith.constant 0 : i32
      %dma_wait3A_630 = arith.constant 0 : i32
      %dma_wait3A_631 = tpu.memref_slice %arg4[%dma_wait3A_629, %dma_wait3A_630] : memref<32x1000000xf32, #tpu.memory_space<hbm>> -> memref<32x128xf32, #tpu.memory_space<hbm>>
      %dma_wait3A_632 = arith.constant 0 : i32
      %dma_wait3A_633 = arith.constant 0 : i32
      %dma_wait3A_634 = tpu.memref_slice %arg9[%dma_wait3A_624, %dma_wait3A_632, %dma_wait3A_633] : memref<8x32x128xf32, #tpu.memory_space<vmem>> -> memref<1x32x128xf32, #tpu.memory_space<vmem>>
      %dma_wait3A_635 = tpu.memref_squeeze %dma_wait3A_634 : memref<1x32x128xf32, #tpu.memory_space<vmem>> -> memref<32x128xf32, #tpu.memory_space<vmem>>
      %dma_wait3A_636 = arith.constant 0 : i32
      %dma_wait3A_637 = arith.constant 0 : i32
      %dma_wait3A_638 = tpu.memref_slice %arg4[%dma_wait3A_636, %dma_wait3A_637] : memref<32x1000000xf32, #tpu.memory_space<hbm>> -> memref<32x128xf32, #tpu.memory_space<hbm>>
      tpu.wait_dma2 semaphore(%arg15 : memref<!tpu.dma_semaphore, #tpu.memory_space<semaphore_mem>>) src(%dma_wait3A_638 : memref<32x128xf32, #tpu.memory_space<hbm>>) dst(%dma_wait3A_635 : memref<32x128xf32, #tpu.memory_space<vmem>>)
      %dma_wait3A_639 = arith.constant 3 : i32
      %dma_wait3A_640 = arith.constant 0 : i32
      %dma_wait3A_641 = arith.constant 0 : i32
      %dma_wait3A_642 = tpu.memref_slice %arg10[%dma_wait3A_639, %dma_wait3A_640, %dma_wait3A_641] : memref<8x32x128xf32, #tpu.memory_space<vmem>> -> memref<1x32x128xf32, #tpu.memory_space<vmem>>
      %dma_wait3A_643 = tpu.memref_squeeze %dma_wait3A_642 : memref<1x32x128xf32, #tpu.memory_space<vmem>> -> memref<32x128xf32, #tpu.memory_space<vmem>>
      %dma_wait3A_644 = arith.constant 0 : i32
      %dma_wait3A_645 = arith.constant 0 : i32
      %dma_wait3A_646 = tpu.memref_slice %arg5[%dma_wait3A_644, %dma_wait3A_645] : memref<32x1000000xf32, #tpu.memory_space<hbm>> -> memref<32x128xf32, #tpu.memory_space<hbm>>
      %dma_wait3A_647 = arith.constant 0 : i32
      %dma_wait3A_648 = arith.constant 0 : i32
      %dma_wait3A_649 = tpu.memref_slice %arg10[%dma_wait3A_639, %dma_wait3A_647, %dma_wait3A_648] : memref<8x32x128xf32, #tpu.memory_space<vmem>> -> memref<1x32x128xf32, #tpu.memory_space<vmem>>
      %dma_wait3A_650 = tpu.memref_squeeze %dma_wait3A_649 : memref<1x32x128xf32, #tpu.memory_space<vmem>> -> memref<32x128xf32, #tpu.memory_space<vmem>>
      %dma_wait3A_651 = arith.constant 0 : i32
      %dma_wait3A_652 = arith.constant 0 : i32
      %dma_wait3A_653 = tpu.memref_slice %arg5[%dma_wait3A_651, %dma_wait3A_652] : memref<32x1000000xf32, #tpu.memory_space<hbm>> -> memref<32x128xf32, #tpu.memory_space<hbm>>
      tpu.wait_dma2 semaphore(%arg15 : memref<!tpu.dma_semaphore, #tpu.memory_space<semaphore_mem>>) src(%dma_wait3A_653 : memref<32x128xf32, #tpu.memory_space<hbm>>) dst(%dma_wait3A_650 : memref<32x128xf32, #tpu.memory_space<vmem>>)
      %slice3A_654 = vector.extract_strided_slice %get3A_337 {offsets = [3], sizes = [1], strides = [1]} : vector<16xi32> to vector<1xi32>
      %squeeze3A_655 = vector.extract %slice3A_654[0] : i32 from vector<1xi32>
      %and3A_656 = arith.constant 127 : i32
      %and3A_657 = arith.andi %squeeze3A_655, %and3A_656 : i32
      %broadcast_in_dim3A_658 = vector.broadcast %and3A_657 : i32 to vector<16xi32>
      %slice3A_659 = vector.extract_strided_slice %get3A_341 {offsets = [3], sizes = [1], strides = [1]} : vector<16xi32> to vector<1xi32>
      %squeeze3A_660 = vector.extract %slice3A_659[0] : i32 from vector<1xi32>
      %and3A_661 = arith.constant 127 : i32
      %and3A_662 = arith.andi %squeeze3A_660, %and3A_661 : i32
      %broadcast_in_dim3A_663 = vector.broadcast %and3A_662 : i32 to vector<16xi32>
      %gather3A_664 = arith.constant 3 : i32
      %gather3A_665 = arith.constant 0 : i32
      %gather3A_666 = arith.constant 0 : i32
      %gather3A_667 = tpu.memref_slice %arg9[%gather3A_664, %gather3A_665, %gather3A_666] : memref<8x32x128xf32, #tpu.memory_space<vmem>> -> memref<1x32x128xf32, #tpu.memory_space<vmem>>
      %gather3A_668 = tpu.memref_squeeze %gather3A_667 : memref<1x32x128xf32, #tpu.memory_space<vmem>> -> memref<32x128xf32, #tpu.memory_space<vmem>>
      %gather3A_669 = tpu.vector_load_idx %gather3A_668[%iota3A, %broadcast_in_dim3A_658] : memref<32x128xf32, #tpu.memory_space<vmem>>[vector<16xi32>, vector<16xi32>], vector<16xf32>,
      %add3A_670 = arith.constant 16 : i32
      %add3A_671 = vector.broadcast %add3A_670 : i32 to vector<16xi32>
      %add3A_672 = arith.addi %iota3A, %add3A_671 : vector<16xi32>
      %gather3A_673 = arith.constant 3 : i32
      %gather3A_674 = arith.constant 0 : i32
      %gather3A_675 = arith.constant 0 : i32
      %gather3A_676 = tpu.memref_slice %arg9[%gather3A_673, %gather3A_674, %gather3A_675] : memref<8x32x128xf32, #tpu.memory_space<vmem>> -> memref<1x32x128xf32, #tpu.memory_space<vmem>>
      %gather3A_677 = tpu.memref_squeeze %gather3A_676 : memref<1x32x128xf32, #tpu.memory_space<vmem>> -> memref<32x128xf32, #tpu.memory_space<vmem>>
      %gather3A_678 = tpu.vector_load_idx %gather3A_677[%add3A_672, %broadcast_in_dim3A_658] : memref<32x128xf32, #tpu.memory_space<vmem>>[vector<16xi32>, vector<16xi32>], vector<16xf32>,
      %gather3A_679 = arith.constant 3 : i32
      %gather3A_680 = arith.constant 0 : i32
      %gather3A_681 = arith.constant 0 : i32
      %gather3A_682 = tpu.memref_slice %arg10[%gather3A_679, %gather3A_680, %gather3A_681] : memref<8x32x128xf32, #tpu.memory_space<vmem>> -> memref<1x32x128xf32, #tpu.memory_space<vmem>>
      %gather3A_683 = tpu.memref_squeeze %gather3A_682 : memref<1x32x128xf32, #tpu.memory_space<vmem>> -> memref<32x128xf32, #tpu.memory_space<vmem>>
      %gather3A_684 = tpu.vector_load_idx %gather3A_683[%iota3A, %broadcast_in_dim3A_663] : memref<32x128xf32, #tpu.memory_space<vmem>>[vector<16xi32>, vector<16xi32>], vector<16xf32>,
      %add3A_685 = arith.constant 16 : i32
      %add3A_686 = vector.broadcast %add3A_685 : i32 to vector<16xi32>
      %add3A_687 = arith.addi %iota3A, %add3A_686 : vector<16xi32>
      %gather3A_688 = arith.constant 3 : i32
      %gather3A_689 = arith.constant 0 : i32
      %gather3A_690 = arith.constant 0 : i32
      %gather3A_691 = tpu.memref_slice %arg10[%gather3A_688, %gather3A_689, %gather3A_690] : memref<8x32x128xf32, #tpu.memory_space<vmem>> -> memref<1x32x128xf32, #tpu.memory_space<vmem>>
      %gather3A_692 = tpu.memref_squeeze %gather3A_691 : memref<1x32x128xf32, #tpu.memory_space<vmem>> -> memref<32x128xf32, #tpu.memory_space<vmem>>
      %gather3A_693 = tpu.vector_load_idx %gather3A_692[%add3A_687, %broadcast_in_dim3A_663] : memref<32x128xf32, #tpu.memory_space<vmem>>[vector<16xi32>, vector<16xi32>], vector<16xf32>,
      %mul3A_694 = arith.mulf %gather3A_669, %gather3A_684 : vector<16xf32>
      %mul3A_695 = arith.mulf %gather3A_678, %gather3A_693 : vector<16xf32>
      %add3A_696 = arith.addf %mul3A_694, %mul3A_695 : vector<16xf32>
      %reduce_sum3A_697 = arith.constant true
      %reduce_sum3A_698 = vector.broadcast %reduce_sum3A_697 : i1 to vector<16xi1>
      %reduce_sum3A_699 = tpu.scan <sum>, %add3A_696 masked %reduce_sum3A_698 : vector<16xf32>, vector<16xi1> -> vector<16xf32>
      %reduce_sum3A_700 = vector.extract %reduce_sum3A_699[15] : f32 from vector<16xf32>
      %add3A_701 = arith.constant 3 : i32
      %add3A_702 = arith.addi %mul3A_364, %add3A_701 : i32
      %eq3A_703 = vector.broadcast %add3A_702 : i32 to vector<16xi32>
      %eq3A_704 = arith.cmpi eq, %iota3A, %eq3A_703 : vector<16xi32>
      %broadcast_in_dim3A_705 = vector.broadcast %reduce_sum3A_700 : f32 to vector<16xf32>
      %select_n3A_706 = arith.select %eq3A_704, %broadcast_in_dim3A_705, %select_n3A_618 : vector<16xi1>, vector<16xf32>
      %lt3A_707 = arith.constant 63 : i32
      %lt3A_708 = arith.cmpi slt, %scan3A_332, %lt3A_707 : i32
      %convert_element_type3A_709 = arith.extui %lt3A_708 : i1 to i32
      %cond3A_710 = arith.constant 0 : i32
      %cond3A_711 = arith.cmpi ne, %convert_element_type3A_709, %cond3A_710 : i32
      scf.if %cond3A_711 {
        %slice3A_1085 = vector.extract_strided_slice %get3A_347 {offsets = [3], sizes = [1], strides = [1]} : vector<16xi32> to vector<1xi32>
        %squeeze3A_1086 = vector.extract %slice3A_1085[0] : i32 from vector<1xi32>
        %slice3A_1087 = vector.extract_strided_slice %get3A_353 {offsets = [3], sizes = [1], strides = [1]} : vector<16xi32> to vector<1xi32>
        %squeeze3A_1088 = vector.extract %slice3A_1087[0] : i32 from vector<1xi32>
        %shift_right_logical3A_1089 = arith.constant 7 : i32
        %shift_right_logical3A_1090 = arith.shrui %squeeze3A_1086, %shift_right_logical3A_1089 : i32
        %mul3A_1091 = arith.constant 128 : i32
        %mul3A_1092 = arith.muli %shift_right_logical3A_1090, %mul3A_1091 : i32
        %multiple_of3A_1093 = tpu.assume_multiple %mul3A_1092, 128 : i32
        %shift_right_logical3A_1094 = arith.constant 7 : i32
        %shift_right_logical3A_1095 = arith.shrui %squeeze3A_1088, %shift_right_logical3A_1094 : i32
        %mul3A_1096 = arith.constant 128 : i32
        %mul3A_1097 = arith.muli %shift_right_logical3A_1095, %mul3A_1096 : i32
        %multiple_of3A_1098 = tpu.assume_multiple %mul3A_1097, 128 : i32
        %dma_start3A_1099 = arith.constant 3 : i32
        %dma_start3A_1100 = arith.constant 0 : i32
        %dma_start3A_1101 = arith.constant 0 : i32
        %dma_start3A_1102 = tpu.memref_slice %arg9[%dma_start3A_1099, %dma_start3A_1100, %dma_start3A_1101] : memref<8x32x128xf32, #tpu.memory_space<vmem>> -> memref<1x32x128xf32, #tpu.memory_space<vmem>>
        %dma_start3A_1103 = tpu.memref_squeeze %dma_start3A_1102 : memref<1x32x128xf32, #tpu.memory_space<vmem>> -> memref<32x128xf32, #tpu.memory_space<vmem>>
        %dma_start3A_1104 = arith.constant 0 : i32
        %dma_start3A_1105 = tpu.memref_slice %arg4[%dma_start3A_1104, %multiple_of3A_1093] : memref<32x1000000xf32, #tpu.memory_space<hbm>> -> memref<32x128xf32, #tpu.memory_space<hbm>>
        %dma_start3A_1106 = arith.constant 0 : i32
        %dma_start3A_1107 = arith.constant 0 : i32
        %dma_start3A_1108 = tpu.memref_slice %arg9[%dma_start3A_1099, %dma_start3A_1106, %dma_start3A_1107] : memref<8x32x128xf32, #tpu.memory_space<vmem>> -> memref<1x32x128xf32, #tpu.memory_space<vmem>>
        %dma_start3A_1109 = tpu.memref_squeeze %dma_start3A_1108 : memref<1x32x128xf32, #tpu.memory_space<vmem>> -> memref<32x128xf32, #tpu.memory_space<vmem>>
        %dma_start3A_1110 = arith.constant 0 : i32
        %dma_start3A_1111 = tpu.memref_slice %arg4[%dma_start3A_1110, %multiple_of3A_1093] : memref<32x1000000xf32, #tpu.memory_space<hbm>> -> memref<32x128xf32, #tpu.memory_space<hbm>>
        tpu.enqueue_dma source(%dma_start3A_1111 : memref<32x128xf32, #tpu.memory_space<hbm>>) target(%dma_start3A_1109 : memref<32x128xf32, #tpu.memory_space<vmem>>) target_semaphore(%arg15 : memref<!tpu.dma_semaphore, #tpu.memory_space<semaphore_mem>>)
        %dma_start3A_1112 = arith.constant 3 : i32
        %dma_start3A_1113 = arith.constant 0 : i32
        %dma_start3A_1114 = arith.constant 0 : i32
        %dma_start3A_1115 = tpu.memref_slice %arg10[%dma_start3A_1112, %dma_start3A_1113, %dma_start3A_1114] : memref<8x32x128xf32, #tpu.memory_space<vmem>> -> memref<1x32x128xf32, #tpu.memory_space<vmem>>
        %dma_start3A_1116 = tpu.memref_squeeze %dma_start3A_1115 : memref<1x32x128xf32, #tpu.memory_space<vmem>> -> memref<32x128xf32, #tpu.memory_space<vmem>>
        %dma_start3A_1117 = arith.constant 0 : i32
        %dma_start3A_1118 = tpu.memref_slice %arg5[%dma_start3A_1117, %multiple_of3A_1098] : memref<32x1000000xf32, #tpu.memory_space<hbm>> -> memref<32x128xf32, #tpu.memory_space<hbm>>
        %dma_start3A_1119 = arith.constant 0 : i32
        %dma_start3A_1120 = arith.constant 0 : i32
        %dma_start3A_1121 = tpu.memref_slice %arg10[%dma_start3A_1112, %dma_start3A_1119, %dma_start3A_1120] : memref<8x32x128xf32, #tpu.memory_space<vmem>> -> memref<1x32x128xf32, #tpu.memory_space<vmem>>
        %dma_start3A_1122 = tpu.memref_squeeze %dma_start3A_1121 : memref<1x32x128xf32, #tpu.memory_space<vmem>> -> memref<32x128xf32, #tpu.memory_space<vmem>>
        %dma_start3A_1123 = arith.constant 0 : i32
        %dma_start3A_1124 = tpu.memref_slice %arg5[%dma_start3A_1123, %multiple_of3A_1098] : memref<32x1000000xf32, #tpu.memory_space<hbm>> -> memref<32x128xf32, #tpu.memory_space<hbm>>
        tpu.enqueue_dma source(%dma_start3A_1124 : memref<32x128xf32, #tpu.memory_space<hbm>>) target(%dma_start3A_1122 : memref<32x128xf32, #tpu.memory_space<vmem>>) target_semaphore(%arg15 : memref<!tpu.dma_semaphore, #tpu.memory_space<semaphore_mem>>)
      } else {
      }
      %dma_wait3A_712 = arith.constant 4 : i32
      %dma_wait3A_713 = arith.constant 0 : i32
      %dma_wait3A_714 = arith.constant 0 : i32
      %dma_wait3A_715 = tpu.memref_slice %arg9[%dma_wait3A_712, %dma_wait3A_713, %dma_wait3A_714] : memref<8x32x128xf32, #tpu.memory_space<vmem>> -> memref<1x32x128xf32, #tpu.memory_space<vmem>>
      %dma_wait3A_716 = tpu.memref_squeeze %dma_wait3A_715 : memref<1x32x128xf32, #tpu.memory_space<vmem>> -> memref<32x128xf32, #tpu.memory_space<vmem>>
      %dma_wait3A_717 = arith.constant 0 : i32
      %dma_wait3A_718 = arith.constant 0 : i32
      %dma_wait3A_719 = tpu.memref_slice %arg4[%dma_wait3A_717, %dma_wait3A_718] : memref<32x1000000xf32, #tpu.memory_space<hbm>> -> memref<32x128xf32, #tpu.memory_space<hbm>>
      %dma_wait3A_720 = arith.constant 0 : i32
      %dma_wait3A_721 = arith.constant 0 : i32
      %dma_wait3A_722 = tpu.memref_slice %arg9[%dma_wait3A_712, %dma_wait3A_720, %dma_wait3A_721] : memref<8x32x128xf32, #tpu.memory_space<vmem>> -> memref<1x32x128xf32, #tpu.memory_space<vmem>>
      %dma_wait3A_723 = tpu.memref_squeeze %dma_wait3A_722 : memref<1x32x128xf32, #tpu.memory_space<vmem>> -> memref<32x128xf32, #tpu.memory_space<vmem>>
      %dma_wait3A_724 = arith.constant 0 : i32
      %dma_wait3A_725 = arith.constant 0 : i32
      %dma_wait3A_726 = tpu.memref_slice %arg4[%dma_wait3A_724, %dma_wait3A_725] : memref<32x1000000xf32, #tpu.memory_space<hbm>> -> memref<32x128xf32, #tpu.memory_space<hbm>>
      tpu.wait_dma2 semaphore(%arg16 : memref<!tpu.dma_semaphore, #tpu.memory_space<semaphore_mem>>) src(%dma_wait3A_726 : memref<32x128xf32, #tpu.memory_space<hbm>>) dst(%dma_wait3A_723 : memref<32x128xf32, #tpu.memory_space<vmem>>)
      %dma_wait3A_727 = arith.constant 4 : i32
      %dma_wait3A_728 = arith.constant 0 : i32
      %dma_wait3A_729 = arith.constant 0 : i32
      %dma_wait3A_730 = tpu.memref_slice %arg10[%dma_wait3A_727, %dma_wait3A_728, %dma_wait3A_729] : memref<8x32x128xf32, #tpu.memory_space<vmem>> -> memref<1x32x128xf32, #tpu.memory_space<vmem>>
      %dma_wait3A_731 = tpu.memref_squeeze %dma_wait3A_730 : memref<1x32x128xf32, #tpu.memory_space<vmem>> -> memref<32x128xf32, #tpu.memory_space<vmem>>
      %dma_wait3A_732 = arith.constant 0 : i32
      %dma_wait3A_733 = arith.constant 0 : i32
      %dma_wait3A_734 = tpu.memref_slice %arg5[%dma_wait3A_732, %dma_wait3A_733] : memref<32x1000000xf32, #tpu.memory_space<hbm>> -> memref<32x128xf32, #tpu.memory_space<hbm>>
      %dma_wait3A_735 = arith.constant 0 : i32
      %dma_wait3A_736 = arith.constant 0 : i32
      %dma_wait3A_737 = tpu.memref_slice %arg10[%dma_wait3A_727, %dma_wait3A_735, %dma_wait3A_736] : memref<8x32x128xf32, #tpu.memory_space<vmem>> -> memref<1x32x128xf32, #tpu.memory_space<vmem>>
      %dma_wait3A_738 = tpu.memref_squeeze %dma_wait3A_737 : memref<1x32x128xf32, #tpu.memory_space<vmem>> -> memref<32x128xf32, #tpu.memory_space<vmem>>
      %dma_wait3A_739 = arith.constant 0 : i32
      %dma_wait3A_740 = arith.constant 0 : i32
      %dma_wait3A_741 = tpu.memref_slice %arg5[%dma_wait3A_739, %dma_wait3A_740] : memref<32x1000000xf32, #tpu.memory_space<hbm>> -> memref<32x128xf32, #tpu.memory_space<hbm>>
      tpu.wait_dma2 semaphore(%arg16 : memref<!tpu.dma_semaphore, #tpu.memory_space<semaphore_mem>>) src(%dma_wait3A_741 : memref<32x128xf32, #tpu.memory_space<hbm>>) dst(%dma_wait3A_738 : memref<32x128xf32, #tpu.memory_space<vmem>>)
      %slice3A_742 = vector.extract_strided_slice %get3A_337 {offsets = [4], sizes = [1], strides = [1]} : vector<16xi32> to vector<1xi32>
      %squeeze3A_743 = vector.extract %slice3A_742[0] : i32 from vector<1xi32>
      %and3A_744 = arith.constant 127 : i32
      %and3A_745 = arith.andi %squeeze3A_743, %and3A_744 : i32
      %broadcast_in_dim3A_746 = vector.broadcast %and3A_745 : i32 to vector<16xi32>
      %slice3A_747 = vector.extract_strided_slice %get3A_341 {offsets = [4], sizes = [1], strides = [1]} : vector<16xi32> to vector<1xi32>
      %squeeze3A_748 = vector.extract %slice3A_747[0] : i32 from vector<1xi32>
      %and3A_749 = arith.constant 127 : i32
      %and3A_750 = arith.andi %squeeze3A_748, %and3A_749 : i32
      %broadcast_in_dim3A_751 = vector.broadcast %and3A_750 : i32 to vector<16xi32>
      %gather3A_752 = arith.constant 4 : i32
      %gather3A_753 = arith.constant 0 : i32
      %gather3A_754 = arith.constant 0 : i32
      %gather3A_755 = tpu.memref_slice %arg9[%gather3A_752, %gather3A_753, %gather3A_754] : memref<8x32x128xf32, #tpu.memory_space<vmem>> -> memref<1x32x128xf32, #tpu.memory_space<vmem>>
      %gather3A_756 = tpu.memref_squeeze %gather3A_755 : memref<1x32x128xf32, #tpu.memory_space<vmem>> -> memref<32x128xf32, #tpu.memory_space<vmem>>
      %gather3A_757 = tpu.vector_load_idx %gather3A_756[%iota3A, %broadcast_in_dim3A_746] : memref<32x128xf32, #tpu.memory_space<vmem>>[vector<16xi32>, vector<16xi32>], vector<16xf32>,
      %add3A_758 = arith.constant 16 : i32
      %add3A_759 = vector.broadcast %add3A_758 : i32 to vector<16xi32>
      %add3A_760 = arith.addi %iota3A, %add3A_759 : vector<16xi32>
      %gather3A_761 = arith.constant 4 : i32
      %gather3A_762 = arith.constant 0 : i32
      %gather3A_763 = arith.constant 0 : i32
      %gather3A_764 = tpu.memref_slice %arg9[%gather3A_761, %gather3A_762, %gather3A_763] : memref<8x32x128xf32, #tpu.memory_space<vmem>> -> memref<1x32x128xf32, #tpu.memory_space<vmem>>
      %gather3A_765 = tpu.memref_squeeze %gather3A_764 : memref<1x32x128xf32, #tpu.memory_space<vmem>> -> memref<32x128xf32, #tpu.memory_space<vmem>>
      %gather3A_766 = tpu.vector_load_idx %gather3A_765[%add3A_760, %broadcast_in_dim3A_746] : memref<32x128xf32, #tpu.memory_space<vmem>>[vector<16xi32>, vector<16xi32>], vector<16xf32>,
      %gather3A_767 = arith.constant 4 : i32
      %gather3A_768 = arith.constant 0 : i32
      %gather3A_769 = arith.constant 0 : i32
      %gather3A_770 = tpu.memref_slice %arg10[%gather3A_767, %gather3A_768, %gather3A_769] : memref<8x32x128xf32, #tpu.memory_space<vmem>> -> memref<1x32x128xf32, #tpu.memory_space<vmem>>
      %gather3A_771 = tpu.memref_squeeze %gather3A_770 : memref<1x32x128xf32, #tpu.memory_space<vmem>> -> memref<32x128xf32, #tpu.memory_space<vmem>>
      %gather3A_772 = tpu.vector_load_idx %gather3A_771[%iota3A, %broadcast_in_dim3A_751] : memref<32x128xf32, #tpu.memory_space<vmem>>[vector<16xi32>, vector<16xi32>], vector<16xf32>,
      %add3A_773 = arith.constant 16 : i32
      %add3A_774 = vector.broadcast %add3A_773 : i32 to vector<16xi32>
      %add3A_775 = arith.addi %iota3A, %add3A_774 : vector<16xi32>
      %gather3A_776 = arith.constant 4 : i32
      %gather3A_777 = arith.constant 0 : i32
      %gather3A_778 = arith.constant 0 : i32
      %gather3A_779 = tpu.memref_slice %arg10[%gather3A_776, %gather3A_777, %gather3A_778] : memref<8x32x128xf32, #tpu.memory_space<vmem>> -> memref<1x32x128xf32, #tpu.memory_space<vmem>>
      %gather3A_780 = tpu.memref_squeeze %gather3A_779 : memref<1x32x128xf32, #tpu.memory_space<vmem>> -> memref<32x128xf32, #tpu.memory_space<vmem>>
      %gather3A_781 = tpu.vector_load_idx %gather3A_780[%add3A_775, %broadcast_in_dim3A_751] : memref<32x128xf32, #tpu.memory_space<vmem>>[vector<16xi32>, vector<16xi32>], vector<16xf32>,
      %mul3A_782 = arith.mulf %gather3A_757, %gather3A_772 : vector<16xf32>
      %mul3A_783 = arith.mulf %gather3A_766, %gather3A_781 : vector<16xf32>
      %add3A_784 = arith.addf %mul3A_782, %mul3A_783 : vector<16xf32>
      %reduce_sum3A_785 = arith.constant true
      %reduce_sum3A_786 = vector.broadcast %reduce_sum3A_785 : i1 to vector<16xi1>
      %reduce_sum3A_787 = tpu.scan <sum>, %add3A_784 masked %reduce_sum3A_786 : vector<16xf32>, vector<16xi1> -> vector<16xf32>
      %reduce_sum3A_788 = vector.extract %reduce_sum3A_787[15] : f32 from vector<16xf32>
      %add3A_789 = arith.constant 4 : i32
      %add3A_790 = arith.addi %mul3A_364, %add3A_789 : i32
      %eq3A_791 = vector.broadcast %add3A_790 : i32 to vector<16xi32>
      %eq3A_792 = arith.cmpi eq, %iota3A, %eq3A_791 : vector<16xi32>
      %broadcast_in_dim3A_793 = vector.broadcast %reduce_sum3A_788 : f32 to vector<16xf32>
      %select_n3A_794 = arith.select %eq3A_792, %broadcast_in_dim3A_793, %select_n3A_706 : vector<16xi1>, vector<16xf32>
      %lt3A_795 = arith.constant 63 : i32
      %lt3A_796 = arith.cmpi slt, %scan3A_332, %lt3A_795 : i32
      %convert_element_type3A_797 = arith.extui %lt3A_796 : i1 to i32
      %cond3A_798 = arith.constant 0 : i32
      %cond3A_799 = arith.cmpi ne, %convert_element_type3A_797, %cond3A_798 : i32
      scf.if %cond3A_799 {
        %slice3A_1085 = vector.extract_strided_slice %get3A_347 {offsets = [4], sizes = [1], strides = [1]} : vector<16xi32> to vector<1xi32>
        %squeeze3A_1086 = vector.extract %slice3A_1085[0] : i32 from vector<1xi32>
        %slice3A_1087 = vector.extract_strided_slice %get3A_353 {offsets = [4], sizes = [1], strides = [1]} : vector<16xi32> to vector<1xi32>
        %squeeze3A_1088 = vector.extract %slice3A_1087[0] : i32 from vector<1xi32>
        %shift_right_logical3A_1089 = arith.constant 7 : i32
        %shift_right_logical3A_1090 = arith.shrui %squeeze3A_1086, %shift_right_logical3A_1089 : i32
        %mul3A_1091 = arith.constant 128 : i32
        %mul3A_1092 = arith.muli %shift_right_logical3A_1090, %mul3A_1091 : i32
        %multiple_of3A_1093 = tpu.assume_multiple %mul3A_1092, 128 : i32
        %shift_right_logical3A_1094 = arith.constant 7 : i32
        %shift_right_logical3A_1095 = arith.shrui %squeeze3A_1088, %shift_right_logical3A_1094 : i32
        %mul3A_1096 = arith.constant 128 : i32
        %mul3A_1097 = arith.muli %shift_right_logical3A_1095, %mul3A_1096 : i32
        %multiple_of3A_1098 = tpu.assume_multiple %mul3A_1097, 128 : i32
        %dma_start3A_1099 = arith.constant 4 : i32
        %dma_start3A_1100 = arith.constant 0 : i32
        %dma_start3A_1101 = arith.constant 0 : i32
        %dma_start3A_1102 = tpu.memref_slice %arg9[%dma_start3A_1099, %dma_start3A_1100, %dma_start3A_1101] : memref<8x32x128xf32, #tpu.memory_space<vmem>> -> memref<1x32x128xf32, #tpu.memory_space<vmem>>
        %dma_start3A_1103 = tpu.memref_squeeze %dma_start3A_1102 : memref<1x32x128xf32, #tpu.memory_space<vmem>> -> memref<32x128xf32, #tpu.memory_space<vmem>>
        %dma_start3A_1104 = arith.constant 0 : i32
        %dma_start3A_1105 = tpu.memref_slice %arg4[%dma_start3A_1104, %multiple_of3A_1093] : memref<32x1000000xf32, #tpu.memory_space<hbm>> -> memref<32x128xf32, #tpu.memory_space<hbm>>
        %dma_start3A_1106 = arith.constant 0 : i32
        %dma_start3A_1107 = arith.constant 0 : i32
        %dma_start3A_1108 = tpu.memref_slice %arg9[%dma_start3A_1099, %dma_start3A_1106, %dma_start3A_1107] : memref<8x32x128xf32, #tpu.memory_space<vmem>> -> memref<1x32x128xf32, #tpu.memory_space<vmem>>
        %dma_start3A_1109 = tpu.memref_squeeze %dma_start3A_1108 : memref<1x32x128xf32, #tpu.memory_space<vmem>> -> memref<32x128xf32, #tpu.memory_space<vmem>>
        %dma_start3A_1110 = arith.constant 0 : i32
        %dma_start3A_1111 = tpu.memref_slice %arg4[%dma_start3A_1110, %multiple_of3A_1093] : memref<32x1000000xf32, #tpu.memory_space<hbm>> -> memref<32x128xf32, #tpu.memory_space<hbm>>
        tpu.enqueue_dma source(%dma_start3A_1111 : memref<32x128xf32, #tpu.memory_space<hbm>>) target(%dma_start3A_1109 : memref<32x128xf32, #tpu.memory_space<vmem>>) target_semaphore(%arg16 : memref<!tpu.dma_semaphore, #tpu.memory_space<semaphore_mem>>)
        %dma_start3A_1112 = arith.constant 4 : i32
        %dma_start3A_1113 = arith.constant 0 : i32
        %dma_start3A_1114 = arith.constant 0 : i32
        %dma_start3A_1115 = tpu.memref_slice %arg10[%dma_start3A_1112, %dma_start3A_1113, %dma_start3A_1114] : memref<8x32x128xf32, #tpu.memory_space<vmem>> -> memref<1x32x128xf32, #tpu.memory_space<vmem>>
        %dma_start3A_1116 = tpu.memref_squeeze %dma_start3A_1115 : memref<1x32x128xf32, #tpu.memory_space<vmem>> -> memref<32x128xf32, #tpu.memory_space<vmem>>
        %dma_start3A_1117 = arith.constant 0 : i32
        %dma_start3A_1118 = tpu.memref_slice %arg5[%dma_start3A_1117, %multiple_of3A_1098] : memref<32x1000000xf32, #tpu.memory_space<hbm>> -> memref<32x128xf32, #tpu.memory_space<hbm>>
        %dma_start3A_1119 = arith.constant 0 : i32
        %dma_start3A_1120 = arith.constant 0 : i32
        %dma_start3A_1121 = tpu.memref_slice %arg10[%dma_start3A_1112, %dma_start3A_1119, %dma_start3A_1120] : memref<8x32x128xf32, #tpu.memory_space<vmem>> -> memref<1x32x128xf32, #tpu.memory_space<vmem>>
        %dma_start3A_1122 = tpu.memref_squeeze %dma_start3A_1121 : memref<1x32x128xf32, #tpu.memory_space<vmem>> -> memref<32x128xf32, #tpu.memory_space<vmem>>
        %dma_start3A_1123 = arith.constant 0 : i32
        %dma_start3A_1124 = tpu.memref_slice %arg5[%dma_start3A_1123, %multiple_of3A_1098] : memref<32x1000000xf32, #tpu.memory_space<hbm>> -> memref<32x128xf32, #tpu.memory_space<hbm>>
        tpu.enqueue_dma source(%dma_start3A_1124 : memref<32x128xf32, #tpu.memory_space<hbm>>) target(%dma_start3A_1122 : memref<32x128xf32, #tpu.memory_space<vmem>>) target_semaphore(%arg16 : memref<!tpu.dma_semaphore, #tpu.memory_space<semaphore_mem>>)
      } else {
      }
      %dma_wait3A_800 = arith.constant 5 : i32
      %dma_wait3A_801 = arith.constant 0 : i32
      %dma_wait3A_802 = arith.constant 0 : i32
      %dma_wait3A_803 = tpu.memref_slice %arg9[%dma_wait3A_800, %dma_wait3A_801, %dma_wait3A_802] : memref<8x32x128xf32, #tpu.memory_space<vmem>> -> memref<1x32x128xf32, #tpu.memory_space<vmem>>
      %dma_wait3A_804 = tpu.memref_squeeze %dma_wait3A_803 : memref<1x32x128xf32, #tpu.memory_space<vmem>> -> memref<32x128xf32, #tpu.memory_space<vmem>>
      %dma_wait3A_805 = arith.constant 0 : i32
      %dma_wait3A_806 = arith.constant 0 : i32
      %dma_wait3A_807 = tpu.memref_slice %arg4[%dma_wait3A_805, %dma_wait3A_806] : memref<32x1000000xf32, #tpu.memory_space<hbm>> -> memref<32x128xf32, #tpu.memory_space<hbm>>
      %dma_wait3A_808 = arith.constant 0 : i32
      %dma_wait3A_809 = arith.constant 0 : i32
      %dma_wait3A_810 = tpu.memref_slice %arg9[%dma_wait3A_800, %dma_wait3A_808, %dma_wait3A_809] : memref<8x32x128xf32, #tpu.memory_space<vmem>> -> memref<1x32x128xf32, #tpu.memory_space<vmem>>
      %dma_wait3A_811 = tpu.memref_squeeze %dma_wait3A_810 : memref<1x32x128xf32, #tpu.memory_space<vmem>> -> memref<32x128xf32, #tpu.memory_space<vmem>>
      %dma_wait3A_812 = arith.constant 0 : i32
      %dma_wait3A_813 = arith.constant 0 : i32
      %dma_wait3A_814 = tpu.memref_slice %arg4[%dma_wait3A_812, %dma_wait3A_813] : memref<32x1000000xf32, #tpu.memory_space<hbm>> -> memref<32x128xf32, #tpu.memory_space<hbm>>
      tpu.wait_dma2 semaphore(%arg17 : memref<!tpu.dma_semaphore, #tpu.memory_space<semaphore_mem>>) src(%dma_wait3A_814 : memref<32x128xf32, #tpu.memory_space<hbm>>) dst(%dma_wait3A_811 : memref<32x128xf32, #tpu.memory_space<vmem>>)
      %dma_wait3A_815 = arith.constant 5 : i32
      %dma_wait3A_816 = arith.constant 0 : i32
      %dma_wait3A_817 = arith.constant 0 : i32
      %dma_wait3A_818 = tpu.memref_slice %arg10[%dma_wait3A_815, %dma_wait3A_816, %dma_wait3A_817] : memref<8x32x128xf32, #tpu.memory_space<vmem>> -> memref<1x32x128xf32, #tpu.memory_space<vmem>>
      %dma_wait3A_819 = tpu.memref_squeeze %dma_wait3A_818 : memref<1x32x128xf32, #tpu.memory_space<vmem>> -> memref<32x128xf32, #tpu.memory_space<vmem>>
      %dma_wait3A_820 = arith.constant 0 : i32
      %dma_wait3A_821 = arith.constant 0 : i32
      %dma_wait3A_822 = tpu.memref_slice %arg5[%dma_wait3A_820, %dma_wait3A_821] : memref<32x1000000xf32, #tpu.memory_space<hbm>> -> memref<32x128xf32, #tpu.memory_space<hbm>>
      %dma_wait3A_823 = arith.constant 0 : i32
      %dma_wait3A_824 = arith.constant 0 : i32
      %dma_wait3A_825 = tpu.memref_slice %arg10[%dma_wait3A_815, %dma_wait3A_823, %dma_wait3A_824] : memref<8x32x128xf32, #tpu.memory_space<vmem>> -> memref<1x32x128xf32, #tpu.memory_space<vmem>>
      %dma_wait3A_826 = tpu.memref_squeeze %dma_wait3A_825 : memref<1x32x128xf32, #tpu.memory_space<vmem>> -> memref<32x128xf32, #tpu.memory_space<vmem>>
      %dma_wait3A_827 = arith.constant 0 : i32
      %dma_wait3A_828 = arith.constant 0 : i32
      %dma_wait3A_829 = tpu.memref_slice %arg5[%dma_wait3A_827, %dma_wait3A_828] : memref<32x1000000xf32, #tpu.memory_space<hbm>> -> memref<32x128xf32, #tpu.memory_space<hbm>>
      tpu.wait_dma2 semaphore(%arg17 : memref<!tpu.dma_semaphore, #tpu.memory_space<semaphore_mem>>) src(%dma_wait3A_829 : memref<32x128xf32, #tpu.memory_space<hbm>>) dst(%dma_wait3A_826 : memref<32x128xf32, #tpu.memory_space<vmem>>)
      %slice3A_830 = vector.extract_strided_slice %get3A_337 {offsets = [5], sizes = [1], strides = [1]} : vector<16xi32> to vector<1xi32>
      %squeeze3A_831 = vector.extract %slice3A_830[0] : i32 from vector<1xi32>
      %and3A_832 = arith.constant 127 : i32
      %and3A_833 = arith.andi %squeeze3A_831, %and3A_832 : i32
      %broadcast_in_dim3A_834 = vector.broadcast %and3A_833 : i32 to vector<16xi32>
      %slice3A_835 = vector.extract_strided_slice %get3A_341 {offsets = [5], sizes = [1], strides = [1]} : vector<16xi32> to vector<1xi32>
      %squeeze3A_836 = vector.extract %slice3A_835[0] : i32 from vector<1xi32>
      %and3A_837 = arith.constant 127 : i32
      %and3A_838 = arith.andi %squeeze3A_836, %and3A_837 : i32
      %broadcast_in_dim3A_839 = vector.broadcast %and3A_838 : i32 to vector<16xi32>
      %gather3A_840 = arith.constant 5 : i32
      %gather3A_841 = arith.constant 0 : i32
      %gather3A_842 = arith.constant 0 : i32
      %gather3A_843 = tpu.memref_slice %arg9[%gather3A_840, %gather3A_841, %gather3A_842] : memref<8x32x128xf32, #tpu.memory_space<vmem>> -> memref<1x32x128xf32, #tpu.memory_space<vmem>>
      %gather3A_844 = tpu.memref_squeeze %gather3A_843 : memref<1x32x128xf32, #tpu.memory_space<vmem>> -> memref<32x128xf32, #tpu.memory_space<vmem>>
      %gather3A_845 = tpu.vector_load_idx %gather3A_844[%iota3A, %broadcast_in_dim3A_834] : memref<32x128xf32, #tpu.memory_space<vmem>>[vector<16xi32>, vector<16xi32>], vector<16xf32>,
      %add3A_846 = arith.constant 16 : i32
      %add3A_847 = vector.broadcast %add3A_846 : i32 to vector<16xi32>
      %add3A_848 = arith.addi %iota3A, %add3A_847 : vector<16xi32>
      %gather3A_849 = arith.constant 5 : i32
      %gather3A_850 = arith.constant 0 : i32
      %gather3A_851 = arith.constant 0 : i32
      %gather3A_852 = tpu.memref_slice %arg9[%gather3A_849, %gather3A_850, %gather3A_851] : memref<8x32x128xf32, #tpu.memory_space<vmem>> -> memref<1x32x128xf32, #tpu.memory_space<vmem>>
      %gather3A_853 = tpu.memref_squeeze %gather3A_852 : memref<1x32x128xf32, #tpu.memory_space<vmem>> -> memref<32x128xf32, #tpu.memory_space<vmem>>
      %gather3A_854 = tpu.vector_load_idx %gather3A_853[%add3A_848, %broadcast_in_dim3A_834] : memref<32x128xf32, #tpu.memory_space<vmem>>[vector<16xi32>, vector<16xi32>], vector<16xf32>,
      %gather3A_855 = arith.constant 5 : i32
      %gather3A_856 = arith.constant 0 : i32
      %gather3A_857 = arith.constant 0 : i32
      %gather3A_858 = tpu.memref_slice %arg10[%gather3A_855, %gather3A_856, %gather3A_857] : memref<8x32x128xf32, #tpu.memory_space<vmem>> -> memref<1x32x128xf32, #tpu.memory_space<vmem>>
      %gather3A_859 = tpu.memref_squeeze %gather3A_858 : memref<1x32x128xf32, #tpu.memory_space<vmem>> -> memref<32x128xf32, #tpu.memory_space<vmem>>
      %gather3A_860 = tpu.vector_load_idx %gather3A_859[%iota3A, %broadcast_in_dim3A_839] : memref<32x128xf32, #tpu.memory_space<vmem>>[vector<16xi32>, vector<16xi32>], vector<16xf32>,
      %add3A_861 = arith.constant 16 : i32
      %add3A_862 = vector.broadcast %add3A_861 : i32 to vector<16xi32>
      %add3A_863 = arith.addi %iota3A, %add3A_862 : vector<16xi32>
      %gather3A_864 = arith.constant 5 : i32
      %gather3A_865 = arith.constant 0 : i32
      %gather3A_866 = arith.constant 0 : i32
      %gather3A_867 = tpu.memref_slice %arg10[%gather3A_864, %gather3A_865, %gather3A_866] : memref<8x32x128xf32, #tpu.memory_space<vmem>> -> memref<1x32x128xf32, #tpu.memory_space<vmem>>
      %gather3A_868 = tpu.memref_squeeze %gather3A_867 : memref<1x32x128xf32, #tpu.memory_space<vmem>> -> memref<32x128xf32, #tpu.memory_space<vmem>>
      %gather3A_869 = tpu.vector_load_idx %gather3A_868[%add3A_863, %broadcast_in_dim3A_839] : memref<32x128xf32, #tpu.memory_space<vmem>>[vector<16xi32>, vector<16xi32>], vector<16xf32>,
      %mul3A_870 = arith.mulf %gather3A_845, %gather3A_860 : vector<16xf32>
      %mul3A_871 = arith.mulf %gather3A_854, %gather3A_869 : vector<16xf32>
      %add3A_872 = arith.addf %mul3A_870, %mul3A_871 : vector<16xf32>
      %reduce_sum3A_873 = arith.constant true
      %reduce_sum3A_874 = vector.broadcast %reduce_sum3A_873 : i1 to vector<16xi1>
      %reduce_sum3A_875 = tpu.scan <sum>, %add3A_872 masked %reduce_sum3A_874 : vector<16xf32>, vector<16xi1> -> vector<16xf32>
      %reduce_sum3A_876 = vector.extract %reduce_sum3A_875[15] : f32 from vector<16xf32>
      %add3A_877 = arith.constant 5 : i32
      %add3A_878 = arith.addi %mul3A_364, %add3A_877 : i32
      %eq3A_879 = vector.broadcast %add3A_878 : i32 to vector<16xi32>
      %eq3A_880 = arith.cmpi eq, %iota3A, %eq3A_879 : vector<16xi32>
      %broadcast_in_dim3A_881 = vector.broadcast %reduce_sum3A_876 : f32 to vector<16xf32>
      %select_n3A_882 = arith.select %eq3A_880, %broadcast_in_dim3A_881, %select_n3A_794 : vector<16xi1>, vector<16xf32>
      %lt3A_883 = arith.constant 63 : i32
      %lt3A_884 = arith.cmpi slt, %scan3A_332, %lt3A_883 : i32
      %convert_element_type3A_885 = arith.extui %lt3A_884 : i1 to i32
      %cond3A_886 = arith.constant 0 : i32
      %cond3A_887 = arith.cmpi ne, %convert_element_type3A_885, %cond3A_886 : i32
      scf.if %cond3A_887 {
        %slice3A_1085 = vector.extract_strided_slice %get3A_347 {offsets = [5], sizes = [1], strides = [1]} : vector<16xi32> to vector<1xi32>
        %squeeze3A_1086 = vector.extract %slice3A_1085[0] : i32 from vector<1xi32>
        %slice3A_1087 = vector.extract_strided_slice %get3A_353 {offsets = [5], sizes = [1], strides = [1]} : vector<16xi32> to vector<1xi32>
        %squeeze3A_1088 = vector.extract %slice3A_1087[0] : i32 from vector<1xi32>
        %shift_right_logical3A_1089 = arith.constant 7 : i32
        %shift_right_logical3A_1090 = arith.shrui %squeeze3A_1086, %shift_right_logical3A_1089 : i32
        %mul3A_1091 = arith.constant 128 : i32
        %mul3A_1092 = arith.muli %shift_right_logical3A_1090, %mul3A_1091 : i32
        %multiple_of3A_1093 = tpu.assume_multiple %mul3A_1092, 128 : i32
        %shift_right_logical3A_1094 = arith.constant 7 : i32
        %shift_right_logical3A_1095 = arith.shrui %squeeze3A_1088, %shift_right_logical3A_1094 : i32
        %mul3A_1096 = arith.constant 128 : i32
        %mul3A_1097 = arith.muli %shift_right_logical3A_1095, %mul3A_1096 : i32
        %multiple_of3A_1098 = tpu.assume_multiple %mul3A_1097, 128 : i32
        %dma_start3A_1099 = arith.constant 5 : i32
        %dma_start3A_1100 = arith.constant 0 : i32
        %dma_start3A_1101 = arith.constant 0 : i32
        %dma_start3A_1102 = tpu.memref_slice %arg9[%dma_start3A_1099, %dma_start3A_1100, %dma_start3A_1101] : memref<8x32x128xf32, #tpu.memory_space<vmem>> -> memref<1x32x128xf32, #tpu.memory_space<vmem>>
        %dma_start3A_1103 = tpu.memref_squeeze %dma_start3A_1102 : memref<1x32x128xf32, #tpu.memory_space<vmem>> -> memref<32x128xf32, #tpu.memory_space<vmem>>
        %dma_start3A_1104 = arith.constant 0 : i32
        %dma_start3A_1105 = tpu.memref_slice %arg4[%dma_start3A_1104, %multiple_of3A_1093] : memref<32x1000000xf32, #tpu.memory_space<hbm>> -> memref<32x128xf32, #tpu.memory_space<hbm>>
        %dma_start3A_1106 = arith.constant 0 : i32
        %dma_start3A_1107 = arith.constant 0 : i32
        %dma_start3A_1108 = tpu.memref_slice %arg9[%dma_start3A_1099, %dma_start3A_1106, %dma_start3A_1107] : memref<8x32x128xf32, #tpu.memory_space<vmem>> -> memref<1x32x128xf32, #tpu.memory_space<vmem>>
        %dma_start3A_1109 = tpu.memref_squeeze %dma_start3A_1108 : memref<1x32x128xf32, #tpu.memory_space<vmem>> -> memref<32x128xf32, #tpu.memory_space<vmem>>
        %dma_start3A_1110 = arith.constant 0 : i32
        %dma_start3A_1111 = tpu.memref_slice %arg4[%dma_start3A_1110, %multiple_of3A_1093] : memref<32x1000000xf32, #tpu.memory_space<hbm>> -> memref<32x128xf32, #tpu.memory_space<hbm>>
        tpu.enqueue_dma source(%dma_start3A_1111 : memref<32x128xf32, #tpu.memory_space<hbm>>) target(%dma_start3A_1109 : memref<32x128xf32, #tpu.memory_space<vmem>>) target_semaphore(%arg17 : memref<!tpu.dma_semaphore, #tpu.memory_space<semaphore_mem>>)
        %dma_start3A_1112 = arith.constant 5 : i32
        %dma_start3A_1113 = arith.constant 0 : i32
        %dma_start3A_1114 = arith.constant 0 : i32
        %dma_start3A_1115 = tpu.memref_slice %arg10[%dma_start3A_1112, %dma_start3A_1113, %dma_start3A_1114] : memref<8x32x128xf32, #tpu.memory_space<vmem>> -> memref<1x32x128xf32, #tpu.memory_space<vmem>>
        %dma_start3A_1116 = tpu.memref_squeeze %dma_start3A_1115 : memref<1x32x128xf32, #tpu.memory_space<vmem>> -> memref<32x128xf32, #tpu.memory_space<vmem>>
        %dma_start3A_1117 = arith.constant 0 : i32
        %dma_start3A_1118 = tpu.memref_slice %arg5[%dma_start3A_1117, %multiple_of3A_1098] : memref<32x1000000xf32, #tpu.memory_space<hbm>> -> memref<32x128xf32, #tpu.memory_space<hbm>>
        %dma_start3A_1119 = arith.constant 0 : i32
        %dma_start3A_1120 = arith.constant 0 : i32
        %dma_start3A_1121 = tpu.memref_slice %arg10[%dma_start3A_1112, %dma_start3A_1119, %dma_start3A_1120] : memref<8x32x128xf32, #tpu.memory_space<vmem>> -> memref<1x32x128xf32, #tpu.memory_space<vmem>>
        %dma_start3A_1122 = tpu.memref_squeeze %dma_start3A_1121 : memref<1x32x128xf32, #tpu.memory_space<vmem>> -> memref<32x128xf32, #tpu.memory_space<vmem>>
        %dma_start3A_1123 = arith.constant 0 : i32
        %dma_start3A_1124 = tpu.memref_slice %arg5[%dma_start3A_1123, %multiple_of3A_1098] : memref<32x1000000xf32, #tpu.memory_space<hbm>> -> memref<32x128xf32, #tpu.memory_space<hbm>>
        tpu.enqueue_dma source(%dma_start3A_1124 : memref<32x128xf32, #tpu.memory_space<hbm>>) target(%dma_start3A_1122 : memref<32x128xf32, #tpu.memory_space<vmem>>) target_semaphore(%arg17 : memref<!tpu.dma_semaphore, #tpu.memory_space<semaphore_mem>>)
      } else {
      }
      %dma_wait3A_888 = arith.constant 6 : i32
      %dma_wait3A_889 = arith.constant 0 : i32
      %dma_wait3A_890 = arith.constant 0 : i32
      %dma_wait3A_891 = tpu.memref_slice %arg9[%dma_wait3A_888, %dma_wait3A_889, %dma_wait3A_890] : memref<8x32x128xf32, #tpu.memory_space<vmem>> -> memref<1x32x128xf32, #tpu.memory_space<vmem>>
      %dma_wait3A_892 = tpu.memref_squeeze %dma_wait3A_891 : memref<1x32x128xf32, #tpu.memory_space<vmem>> -> memref<32x128xf32, #tpu.memory_space<vmem>>
      %dma_wait3A_893 = arith.constant 0 : i32
      %dma_wait3A_894 = arith.constant 0 : i32
      %dma_wait3A_895 = tpu.memref_slice %arg4[%dma_wait3A_893, %dma_wait3A_894] : memref<32x1000000xf32, #tpu.memory_space<hbm>> -> memref<32x128xf32, #tpu.memory_space<hbm>>
      %dma_wait3A_896 = arith.constant 0 : i32
      %dma_wait3A_897 = arith.constant 0 : i32
      %dma_wait3A_898 = tpu.memref_slice %arg9[%dma_wait3A_888, %dma_wait3A_896, %dma_wait3A_897] : memref<8x32x128xf32, #tpu.memory_space<vmem>> -> memref<1x32x128xf32, #tpu.memory_space<vmem>>
      %dma_wait3A_899 = tpu.memref_squeeze %dma_wait3A_898 : memref<1x32x128xf32, #tpu.memory_space<vmem>> -> memref<32x128xf32, #tpu.memory_space<vmem>>
      %dma_wait3A_900 = arith.constant 0 : i32
      %dma_wait3A_901 = arith.constant 0 : i32
      %dma_wait3A_902 = tpu.memref_slice %arg4[%dma_wait3A_900, %dma_wait3A_901] : memref<32x1000000xf32, #tpu.memory_space<hbm>> -> memref<32x128xf32, #tpu.memory_space<hbm>>
      tpu.wait_dma2 semaphore(%arg18 : memref<!tpu.dma_semaphore, #tpu.memory_space<semaphore_mem>>) src(%dma_wait3A_902 : memref<32x128xf32, #tpu.memory_space<hbm>>) dst(%dma_wait3A_899 : memref<32x128xf32, #tpu.memory_space<vmem>>)
      %dma_wait3A_903 = arith.constant 6 : i32
      %dma_wait3A_904 = arith.constant 0 : i32
      %dma_wait3A_905 = arith.constant 0 : i32
      %dma_wait3A_906 = tpu.memref_slice %arg10[%dma_wait3A_903, %dma_wait3A_904, %dma_wait3A_905] : memref<8x32x128xf32, #tpu.memory_space<vmem>> -> memref<1x32x128xf32, #tpu.memory_space<vmem>>
      %dma_wait3A_907 = tpu.memref_squeeze %dma_wait3A_906 : memref<1x32x128xf32, #tpu.memory_space<vmem>> -> memref<32x128xf32, #tpu.memory_space<vmem>>
      %dma_wait3A_908 = arith.constant 0 : i32
      %dma_wait3A_909 = arith.constant 0 : i32
      %dma_wait3A_910 = tpu.memref_slice %arg5[%dma_wait3A_908, %dma_wait3A_909] : memref<32x1000000xf32, #tpu.memory_space<hbm>> -> memref<32x128xf32, #tpu.memory_space<hbm>>
      %dma_wait3A_911 = arith.constant 0 : i32
      %dma_wait3A_912 = arith.constant 0 : i32
      %dma_wait3A_913 = tpu.memref_slice %arg10[%dma_wait3A_903, %dma_wait3A_911, %dma_wait3A_912] : memref<8x32x128xf32, #tpu.memory_space<vmem>> -> memref<1x32x128xf32, #tpu.memory_space<vmem>>
      %dma_wait3A_914 = tpu.memref_squeeze %dma_wait3A_913 : memref<1x32x128xf32, #tpu.memory_space<vmem>> -> memref<32x128xf32, #tpu.memory_space<vmem>>
      %dma_wait3A_915 = arith.constant 0 : i32
      %dma_wait3A_916 = arith.constant 0 : i32
      %dma_wait3A_917 = tpu.memref_slice %arg5[%dma_wait3A_915, %dma_wait3A_916] : memref<32x1000000xf32, #tpu.memory_space<hbm>> -> memref<32x128xf32, #tpu.memory_space<hbm>>
      tpu.wait_dma2 semaphore(%arg18 : memref<!tpu.dma_semaphore, #tpu.memory_space<semaphore_mem>>) src(%dma_wait3A_917 : memref<32x128xf32, #tpu.memory_space<hbm>>) dst(%dma_wait3A_914 : memref<32x128xf32, #tpu.memory_space<vmem>>)
      %slice3A_918 = vector.extract_strided_slice %get3A_337 {offsets = [6], sizes = [1], strides = [1]} : vector<16xi32> to vector<1xi32>
      %squeeze3A_919 = vector.extract %slice3A_918[0] : i32 from vector<1xi32>
      %and3A_920 = arith.constant 127 : i32
      %and3A_921 = arith.andi %squeeze3A_919, %and3A_920 : i32
      %broadcast_in_dim3A_922 = vector.broadcast %and3A_921 : i32 to vector<16xi32>
      %slice3A_923 = vector.extract_strided_slice %get3A_341 {offsets = [6], sizes = [1], strides = [1]} : vector<16xi32> to vector<1xi32>
      %squeeze3A_924 = vector.extract %slice3A_923[0] : i32 from vector<1xi32>
      %and3A_925 = arith.constant 127 : i32
      %and3A_926 = arith.andi %squeeze3A_924, %and3A_925 : i32
      %broadcast_in_dim3A_927 = vector.broadcast %and3A_926 : i32 to vector<16xi32>
      %gather3A_928 = arith.constant 6 : i32
      %gather3A_929 = arith.constant 0 : i32
      %gather3A_930 = arith.constant 0 : i32
      %gather3A_931 = tpu.memref_slice %arg9[%gather3A_928, %gather3A_929, %gather3A_930] : memref<8x32x128xf32, #tpu.memory_space<vmem>> -> memref<1x32x128xf32, #tpu.memory_space<vmem>>
      %gather3A_932 = tpu.memref_squeeze %gather3A_931 : memref<1x32x128xf32, #tpu.memory_space<vmem>> -> memref<32x128xf32, #tpu.memory_space<vmem>>
      %gather3A_933 = tpu.vector_load_idx %gather3A_932[%iota3A, %broadcast_in_dim3A_922] : memref<32x128xf32, #tpu.memory_space<vmem>>[vector<16xi32>, vector<16xi32>], vector<16xf32>,
      %add3A_934 = arith.constant 16 : i32
      %add3A_935 = vector.broadcast %add3A_934 : i32 to vector<16xi32>
      %add3A_936 = arith.addi %iota3A, %add3A_935 : vector<16xi32>
      %gather3A_937 = arith.constant 6 : i32
      %gather3A_938 = arith.constant 0 : i32
      %gather3A_939 = arith.constant 0 : i32
      %gather3A_940 = tpu.memref_slice %arg9[%gather3A_937, %gather3A_938, %gather3A_939] : memref<8x32x128xf32, #tpu.memory_space<vmem>> -> memref<1x32x128xf32, #tpu.memory_space<vmem>>
      %gather3A_941 = tpu.memref_squeeze %gather3A_940 : memref<1x32x128xf32, #tpu.memory_space<vmem>> -> memref<32x128xf32, #tpu.memory_space<vmem>>
      %gather3A_942 = tpu.vector_load_idx %gather3A_941[%add3A_936, %broadcast_in_dim3A_922] : memref<32x128xf32, #tpu.memory_space<vmem>>[vector<16xi32>, vector<16xi32>], vector<16xf32>,
      %gather3A_943 = arith.constant 6 : i32
      %gather3A_944 = arith.constant 0 : i32
      %gather3A_945 = arith.constant 0 : i32
      %gather3A_946 = tpu.memref_slice %arg10[%gather3A_943, %gather3A_944, %gather3A_945] : memref<8x32x128xf32, #tpu.memory_space<vmem>> -> memref<1x32x128xf32, #tpu.memory_space<vmem>>
      %gather3A_947 = tpu.memref_squeeze %gather3A_946 : memref<1x32x128xf32, #tpu.memory_space<vmem>> -> memref<32x128xf32, #tpu.memory_space<vmem>>
      %gather3A_948 = tpu.vector_load_idx %gather3A_947[%iota3A, %broadcast_in_dim3A_927] : memref<32x128xf32, #tpu.memory_space<vmem>>[vector<16xi32>, vector<16xi32>], vector<16xf32>,
      %add3A_949 = arith.constant 16 : i32
      %add3A_950 = vector.broadcast %add3A_949 : i32 to vector<16xi32>
      %add3A_951 = arith.addi %iota3A, %add3A_950 : vector<16xi32>
      %gather3A_952 = arith.constant 6 : i32
      %gather3A_953 = arith.constant 0 : i32
      %gather3A_954 = arith.constant 0 : i32
      %gather3A_955 = tpu.memref_slice %arg10[%gather3A_952, %gather3A_953, %gather3A_954] : memref<8x32x128xf32, #tpu.memory_space<vmem>> -> memref<1x32x128xf32, #tpu.memory_space<vmem>>
      %gather3A_956 = tpu.memref_squeeze %gather3A_955 : memref<1x32x128xf32, #tpu.memory_space<vmem>> -> memref<32x128xf32, #tpu.memory_space<vmem>>
      %gather3A_957 = tpu.vector_load_idx %gather3A_956[%add3A_951, %broadcast_in_dim3A_927] : memref<32x128xf32, #tpu.memory_space<vmem>>[vector<16xi32>, vector<16xi32>], vector<16xf32>,
      %mul3A_958 = arith.mulf %gather3A_933, %gather3A_948 : vector<16xf32>
      %mul3A_959 = arith.mulf %gather3A_942, %gather3A_957 : vector<16xf32>
      %add3A_960 = arith.addf %mul3A_958, %mul3A_959 : vector<16xf32>
      %reduce_sum3A_961 = arith.constant true
      %reduce_sum3A_962 = vector.broadcast %reduce_sum3A_961 : i1 to vector<16xi1>
      %reduce_sum3A_963 = tpu.scan <sum>, %add3A_960 masked %reduce_sum3A_962 : vector<16xf32>, vector<16xi1> -> vector<16xf32>
      %reduce_sum3A_964 = vector.extract %reduce_sum3A_963[15] : f32 from vector<16xf32>
      %add3A_965 = arith.constant 6 : i32
      %add3A_966 = arith.addi %mul3A_364, %add3A_965 : i32
      %eq3A_967 = vector.broadcast %add3A_966 : i32 to vector<16xi32>
      %eq3A_968 = arith.cmpi eq, %iota3A, %eq3A_967 : vector<16xi32>
      %broadcast_in_dim3A_969 = vector.broadcast %reduce_sum3A_964 : f32 to vector<16xf32>
      %select_n3A_970 = arith.select %eq3A_968, %broadcast_in_dim3A_969, %select_n3A_882 : vector<16xi1>, vector<16xf32>
      %lt3A_971 = arith.constant 63 : i32
      %lt3A_972 = arith.cmpi slt, %scan3A_332, %lt3A_971 : i32
      %convert_element_type3A_973 = arith.extui %lt3A_972 : i1 to i32
      %cond3A_974 = arith.constant 0 : i32
      %cond3A_975 = arith.cmpi ne, %convert_element_type3A_973, %cond3A_974 : i32
      scf.if %cond3A_975 {
        %slice3A_1085 = vector.extract_strided_slice %get3A_347 {offsets = [6], sizes = [1], strides = [1]} : vector<16xi32> to vector<1xi32>
        %squeeze3A_1086 = vector.extract %slice3A_1085[0] : i32 from vector<1xi32>
        %slice3A_1087 = vector.extract_strided_slice %get3A_353 {offsets = [6], sizes = [1], strides = [1]} : vector<16xi32> to vector<1xi32>
        %squeeze3A_1088 = vector.extract %slice3A_1087[0] : i32 from vector<1xi32>
        %shift_right_logical3A_1089 = arith.constant 7 : i32
        %shift_right_logical3A_1090 = arith.shrui %squeeze3A_1086, %shift_right_logical3A_1089 : i32
        %mul3A_1091 = arith.constant 128 : i32
        %mul3A_1092 = arith.muli %shift_right_logical3A_1090, %mul3A_1091 : i32
        %multiple_of3A_1093 = tpu.assume_multiple %mul3A_1092, 128 : i32
        %shift_right_logical3A_1094 = arith.constant 7 : i32
        %shift_right_logical3A_1095 = arith.shrui %squeeze3A_1088, %shift_right_logical3A_1094 : i32
        %mul3A_1096 = arith.constant 128 : i32
        %mul3A_1097 = arith.muli %shift_right_logical3A_1095, %mul3A_1096 : i32
        %multiple_of3A_1098 = tpu.assume_multiple %mul3A_1097, 128 : i32
        %dma_start3A_1099 = arith.constant 6 : i32
        %dma_start3A_1100 = arith.constant 0 : i32
        %dma_start3A_1101 = arith.constant 0 : i32
        %dma_start3A_1102 = tpu.memref_slice %arg9[%dma_start3A_1099, %dma_start3A_1100, %dma_start3A_1101] : memref<8x32x128xf32, #tpu.memory_space<vmem>> -> memref<1x32x128xf32, #tpu.memory_space<vmem>>
        %dma_start3A_1103 = tpu.memref_squeeze %dma_start3A_1102 : memref<1x32x128xf32, #tpu.memory_space<vmem>> -> memref<32x128xf32, #tpu.memory_space<vmem>>
        %dma_start3A_1104 = arith.constant 0 : i32
        %dma_start3A_1105 = tpu.memref_slice %arg4[%dma_start3A_1104, %multiple_of3A_1093] : memref<32x1000000xf32, #tpu.memory_space<hbm>> -> memref<32x128xf32, #tpu.memory_space<hbm>>
        %dma_start3A_1106 = arith.constant 0 : i32
        %dma_start3A_1107 = arith.constant 0 : i32
        %dma_start3A_1108 = tpu.memref_slice %arg9[%dma_start3A_1099, %dma_start3A_1106, %dma_start3A_1107] : memref<8x32x128xf32, #tpu.memory_space<vmem>> -> memref<1x32x128xf32, #tpu.memory_space<vmem>>
        %dma_start3A_1109 = tpu.memref_squeeze %dma_start3A_1108 : memref<1x32x128xf32, #tpu.memory_space<vmem>> -> memref<32x128xf32, #tpu.memory_space<vmem>>
        %dma_start3A_1110 = arith.constant 0 : i32
        %dma_start3A_1111 = tpu.memref_slice %arg4[%dma_start3A_1110, %multiple_of3A_1093] : memref<32x1000000xf32, #tpu.memory_space<hbm>> -> memref<32x128xf32, #tpu.memory_space<hbm>>
        tpu.enqueue_dma source(%dma_start3A_1111 : memref<32x128xf32, #tpu.memory_space<hbm>>) target(%dma_start3A_1109 : memref<32x128xf32, #tpu.memory_space<vmem>>) target_semaphore(%arg18 : memref<!tpu.dma_semaphore, #tpu.memory_space<semaphore_mem>>)
        %dma_start3A_1112 = arith.constant 6 : i32
        %dma_start3A_1113 = arith.constant 0 : i32
        %dma_start3A_1114 = arith.constant 0 : i32
        %dma_start3A_1115 = tpu.memref_slice %arg10[%dma_start3A_1112, %dma_start3A_1113, %dma_start3A_1114] : memref<8x32x128xf32, #tpu.memory_space<vmem>> -> memref<1x32x128xf32, #tpu.memory_space<vmem>>
        %dma_start3A_1116 = tpu.memref_squeeze %dma_start3A_1115 : memref<1x32x128xf32, #tpu.memory_space<vmem>> -> memref<32x128xf32, #tpu.memory_space<vmem>>
        %dma_start3A_1117 = arith.constant 0 : i32
        %dma_start3A_1118 = tpu.memref_slice %arg5[%dma_start3A_1117, %multiple_of3A_1098] : memref<32x1000000xf32, #tpu.memory_space<hbm>> -> memref<32x128xf32, #tpu.memory_space<hbm>>
        %dma_start3A_1119 = arith.constant 0 : i32
        %dma_start3A_1120 = arith.constant 0 : i32
        %dma_start3A_1121 = tpu.memref_slice %arg10[%dma_start3A_1112, %dma_start3A_1119, %dma_start3A_1120] : memref<8x32x128xf32, #tpu.memory_space<vmem>> -> memref<1x32x128xf32, #tpu.memory_space<vmem>>
        %dma_start3A_1122 = tpu.memref_squeeze %dma_start3A_1121 : memref<1x32x128xf32, #tpu.memory_space<vmem>> -> memref<32x128xf32, #tpu.memory_space<vmem>>
        %dma_start3A_1123 = arith.constant 0 : i32
        %dma_start3A_1124 = tpu.memref_slice %arg5[%dma_start3A_1123, %multiple_of3A_1098] : memref<32x1000000xf32, #tpu.memory_space<hbm>> -> memref<32x128xf32, #tpu.memory_space<hbm>>
        tpu.enqueue_dma source(%dma_start3A_1124 : memref<32x128xf32, #tpu.memory_space<hbm>>) target(%dma_start3A_1122 : memref<32x128xf32, #tpu.memory_space<vmem>>) target_semaphore(%arg18 : memref<!tpu.dma_semaphore, #tpu.memory_space<semaphore_mem>>)
      } else {
      }
      %dma_wait3A_976 = arith.constant 7 : i32
      %dma_wait3A_977 = arith.constant 0 : i32
      %dma_wait3A_978 = arith.constant 0 : i32
      %dma_wait3A_979 = tpu.memref_slice %arg9[%dma_wait3A_976, %dma_wait3A_977, %dma_wait3A_978] : memref<8x32x128xf32, #tpu.memory_space<vmem>> -> memref<1x32x128xf32, #tpu.memory_space<vmem>>
      %dma_wait3A_980 = tpu.memref_squeeze %dma_wait3A_979 : memref<1x32x128xf32, #tpu.memory_space<vmem>> -> memref<32x128xf32, #tpu.memory_space<vmem>>
      %dma_wait3A_981 = arith.constant 0 : i32
      %dma_wait3A_982 = arith.constant 0 : i32
      %dma_wait3A_983 = tpu.memref_slice %arg4[%dma_wait3A_981, %dma_wait3A_982] : memref<32x1000000xf32, #tpu.memory_space<hbm>> -> memref<32x128xf32, #tpu.memory_space<hbm>>
      %dma_wait3A_984 = arith.constant 0 : i32
      %dma_wait3A_985 = arith.constant 0 : i32
      %dma_wait3A_986 = tpu.memref_slice %arg9[%dma_wait3A_976, %dma_wait3A_984, %dma_wait3A_985] : memref<8x32x128xf32, #tpu.memory_space<vmem>> -> memref<1x32x128xf32, #tpu.memory_space<vmem>>
      %dma_wait3A_987 = tpu.memref_squeeze %dma_wait3A_986 : memref<1x32x128xf32, #tpu.memory_space<vmem>> -> memref<32x128xf32, #tpu.memory_space<vmem>>
      %dma_wait3A_988 = arith.constant 0 : i32
      %dma_wait3A_989 = arith.constant 0 : i32
      %dma_wait3A_990 = tpu.memref_slice %arg4[%dma_wait3A_988, %dma_wait3A_989] : memref<32x1000000xf32, #tpu.memory_space<hbm>> -> memref<32x128xf32, #tpu.memory_space<hbm>>
      tpu.wait_dma2 semaphore(%arg19 : memref<!tpu.dma_semaphore, #tpu.memory_space<semaphore_mem>>) src(%dma_wait3A_990 : memref<32x128xf32, #tpu.memory_space<hbm>>) dst(%dma_wait3A_987 : memref<32x128xf32, #tpu.memory_space<vmem>>)
      %dma_wait3A_991 = arith.constant 7 : i32
      %dma_wait3A_992 = arith.constant 0 : i32
      %dma_wait3A_993 = arith.constant 0 : i32
      %dma_wait3A_994 = tpu.memref_slice %arg10[%dma_wait3A_991, %dma_wait3A_992, %dma_wait3A_993] : memref<8x32x128xf32, #tpu.memory_space<vmem>> -> memref<1x32x128xf32, #tpu.memory_space<vmem>>
      %dma_wait3A_995 = tpu.memref_squeeze %dma_wait3A_994 : memref<1x32x128xf32, #tpu.memory_space<vmem>> -> memref<32x128xf32, #tpu.memory_space<vmem>>
      %dma_wait3A_996 = arith.constant 0 : i32
      %dma_wait3A_997 = arith.constant 0 : i32
      %dma_wait3A_998 = tpu.memref_slice %arg5[%dma_wait3A_996, %dma_wait3A_997] : memref<32x1000000xf32, #tpu.memory_space<hbm>> -> memref<32x128xf32, #tpu.memory_space<hbm>>
      %dma_wait3A_999 = arith.constant 0 : i32
      %dma_wait3A_1000 = arith.constant 0 : i32
      %dma_wait3A_1001 = tpu.memref_slice %arg10[%dma_wait3A_991, %dma_wait3A_999, %dma_wait3A_1000] : memref<8x32x128xf32, #tpu.memory_space<vmem>> -> memref<1x32x128xf32, #tpu.memory_space<vmem>>
      %dma_wait3A_1002 = tpu.memref_squeeze %dma_wait3A_1001 : memref<1x32x128xf32, #tpu.memory_space<vmem>> -> memref<32x128xf32, #tpu.memory_space<vmem>>
      %dma_wait3A_1003 = arith.constant 0 : i32
      %dma_wait3A_1004 = arith.constant 0 : i32
      %dma_wait3A_1005 = tpu.memref_slice %arg5[%dma_wait3A_1003, %dma_wait3A_1004] : memref<32x1000000xf32, #tpu.memory_space<hbm>> -> memref<32x128xf32, #tpu.memory_space<hbm>>
      tpu.wait_dma2 semaphore(%arg19 : memref<!tpu.dma_semaphore, #tpu.memory_space<semaphore_mem>>) src(%dma_wait3A_1005 : memref<32x128xf32, #tpu.memory_space<hbm>>) dst(%dma_wait3A_1002 : memref<32x128xf32, #tpu.memory_space<vmem>>)
      %slice3A_1006 = vector.extract_strided_slice %get3A_337 {offsets = [7], sizes = [1], strides = [1]} : vector<16xi32> to vector<1xi32>
      %squeeze3A_1007 = vector.extract %slice3A_1006[0] : i32 from vector<1xi32>
      %and3A_1008 = arith.constant 127 : i32
      %and3A_1009 = arith.andi %squeeze3A_1007, %and3A_1008 : i32
      %broadcast_in_dim3A_1010 = vector.broadcast %and3A_1009 : i32 to vector<16xi32>
      %slice3A_1011 = vector.extract_strided_slice %get3A_341 {offsets = [7], sizes = [1], strides = [1]} : vector<16xi32> to vector<1xi32>
      %squeeze3A_1012 = vector.extract %slice3A_1011[0] : i32 from vector<1xi32>
      %and3A_1013 = arith.constant 127 : i32
      %and3A_1014 = arith.andi %squeeze3A_1012, %and3A_1013 : i32
      %broadcast_in_dim3A_1015 = vector.broadcast %and3A_1014 : i32 to vector<16xi32>
      %gather3A_1016 = arith.constant 7 : i32
      %gather3A_1017 = arith.constant 0 : i32
      %gather3A_1018 = arith.constant 0 : i32
      %gather3A_1019 = tpu.memref_slice %arg9[%gather3A_1016, %gather3A_1017, %gather3A_1018] : memref<8x32x128xf32, #tpu.memory_space<vmem>> -> memref<1x32x128xf32, #tpu.memory_space<vmem>>
      %gather3A_1020 = tpu.memref_squeeze %gather3A_1019 : memref<1x32x128xf32, #tpu.memory_space<vmem>> -> memref<32x128xf32, #tpu.memory_space<vmem>>
      %gather3A_1021 = tpu.vector_load_idx %gather3A_1020[%iota3A, %broadcast_in_dim3A_1010] : memref<32x128xf32, #tpu.memory_space<vmem>>[vector<16xi32>, vector<16xi32>], vector<16xf32>,
      %add3A_1022 = arith.constant 16 : i32
      %add3A_1023 = vector.broadcast %add3A_1022 : i32 to vector<16xi32>
      %add3A_1024 = arith.addi %iota3A, %add3A_1023 : vector<16xi32>
      %gather3A_1025 = arith.constant 7 : i32
      %gather3A_1026 = arith.constant 0 : i32
      %gather3A_1027 = arith.constant 0 : i32
      %gather3A_1028 = tpu.memref_slice %arg9[%gather3A_1025, %gather3A_1026, %gather3A_1027] : memref<8x32x128xf32, #tpu.memory_space<vmem>> -> memref<1x32x128xf32, #tpu.memory_space<vmem>>
      %gather3A_1029 = tpu.memref_squeeze %gather3A_1028 : memref<1x32x128xf32, #tpu.memory_space<vmem>> -> memref<32x128xf32, #tpu.memory_space<vmem>>
      %gather3A_1030 = tpu.vector_load_idx %gather3A_1029[%add3A_1024, %broadcast_in_dim3A_1010] : memref<32x128xf32, #tpu.memory_space<vmem>>[vector<16xi32>, vector<16xi32>], vector<16xf32>,
      %gather3A_1031 = arith.constant 7 : i32
      %gather3A_1032 = arith.constant 0 : i32
      %gather3A_1033 = arith.constant 0 : i32
      %gather3A_1034 = tpu.memref_slice %arg10[%gather3A_1031, %gather3A_1032, %gather3A_1033] : memref<8x32x128xf32, #tpu.memory_space<vmem>> -> memref<1x32x128xf32, #tpu.memory_space<vmem>>
      %gather3A_1035 = tpu.memref_squeeze %gather3A_1034 : memref<1x32x128xf32, #tpu.memory_space<vmem>> -> memref<32x128xf32, #tpu.memory_space<vmem>>
      %gather3A_1036 = tpu.vector_load_idx %gather3A_1035[%iota3A, %broadcast_in_dim3A_1015] : memref<32x128xf32, #tpu.memory_space<vmem>>[vector<16xi32>, vector<16xi32>], vector<16xf32>,
      %add3A_1037 = arith.constant 16 : i32
      %add3A_1038 = vector.broadcast %add3A_1037 : i32 to vector<16xi32>
      %add3A_1039 = arith.addi %iota3A, %add3A_1038 : vector<16xi32>
      %gather3A_1040 = arith.constant 7 : i32
      %gather3A_1041 = arith.constant 0 : i32
      %gather3A_1042 = arith.constant 0 : i32
      %gather3A_1043 = tpu.memref_slice %arg10[%gather3A_1040, %gather3A_1041, %gather3A_1042] : memref<8x32x128xf32, #tpu.memory_space<vmem>> -> memref<1x32x128xf32, #tpu.memory_space<vmem>>
      %gather3A_1044 = tpu.memref_squeeze %gather3A_1043 : memref<1x32x128xf32, #tpu.memory_space<vmem>> -> memref<32x128xf32, #tpu.memory_space<vmem>>
      %gather3A_1045 = tpu.vector_load_idx %gather3A_1044[%add3A_1039, %broadcast_in_dim3A_1015] : memref<32x128xf32, #tpu.memory_space<vmem>>[vector<16xi32>, vector<16xi32>], vector<16xf32>,
      %mul3A_1046 = arith.mulf %gather3A_1021, %gather3A_1036 : vector<16xf32>
      %mul3A_1047 = arith.mulf %gather3A_1030, %gather3A_1045 : vector<16xf32>
      %add3A_1048 = arith.addf %mul3A_1046, %mul3A_1047 : vector<16xf32>
      %reduce_sum3A_1049 = arith.constant true
      %reduce_sum3A_1050 = vector.broadcast %reduce_sum3A_1049 : i1 to vector<16xi1>
      %reduce_sum3A_1051 = tpu.scan <sum>, %add3A_1048 masked %reduce_sum3A_1050 : vector<16xf32>, vector<16xi1> -> vector<16xf32>
      %reduce_sum3A_1052 = vector.extract %reduce_sum3A_1051[15] : f32 from vector<16xf32>
      %add3A_1053 = arith.constant 7 : i32
      %add3A_1054 = arith.addi %mul3A_364, %add3A_1053 : i32
      %eq3A_1055 = vector.broadcast %add3A_1054 : i32 to vector<16xi32>
      %eq3A_1056 = arith.cmpi eq, %iota3A, %eq3A_1055 : vector<16xi32>
      %broadcast_in_dim3A_1057 = vector.broadcast %reduce_sum3A_1052 : f32 to vector<16xf32>
      %select_n3A_1058 = arith.select %eq3A_1056, %broadcast_in_dim3A_1057, %select_n3A_970 : vector<16xi1>, vector<16xf32>
      %lt3A_1059 = arith.constant 63 : i32
      %lt3A_1060 = arith.cmpi slt, %scan3A_332, %lt3A_1059 : i32
      %convert_element_type3A_1061 = arith.extui %lt3A_1060 : i1 to i32
      %cond3A_1062 = arith.constant 0 : i32
      %cond3A_1063 = arith.cmpi ne, %convert_element_type3A_1061, %cond3A_1062 : i32
      scf.if %cond3A_1063 {
        %slice3A_1085 = vector.extract_strided_slice %get3A_347 {offsets = [7], sizes = [1], strides = [1]} : vector<16xi32> to vector<1xi32>
        %squeeze3A_1086 = vector.extract %slice3A_1085[0] : i32 from vector<1xi32>
        %slice3A_1087 = vector.extract_strided_slice %get3A_353 {offsets = [7], sizes = [1], strides = [1]} : vector<16xi32> to vector<1xi32>
        %squeeze3A_1088 = vector.extract %slice3A_1087[0] : i32 from vector<1xi32>
        %shift_right_logical3A_1089 = arith.constant 7 : i32
        %shift_right_logical3A_1090 = arith.shrui %squeeze3A_1086, %shift_right_logical3A_1089 : i32
        %mul3A_1091 = arith.constant 128 : i32
        %mul3A_1092 = arith.muli %shift_right_logical3A_1090, %mul3A_1091 : i32
        %multiple_of3A_1093 = tpu.assume_multiple %mul3A_1092, 128 : i32
        %shift_right_logical3A_1094 = arith.constant 7 : i32
        %shift_right_logical3A_1095 = arith.shrui %squeeze3A_1088, %shift_right_logical3A_1094 : i32
        %mul3A_1096 = arith.constant 128 : i32
        %mul3A_1097 = arith.muli %shift_right_logical3A_1095, %mul3A_1096 : i32
        %multiple_of3A_1098 = tpu.assume_multiple %mul3A_1097, 128 : i32
        %dma_start3A_1099 = arith.constant 7 : i32
        %dma_start3A_1100 = arith.constant 0 : i32
        %dma_start3A_1101 = arith.constant 0 : i32
        %dma_start3A_1102 = tpu.memref_slice %arg9[%dma_start3A_1099, %dma_start3A_1100, %dma_start3A_1101] : memref<8x32x128xf32, #tpu.memory_space<vmem>> -> memref<1x32x128xf32, #tpu.memory_space<vmem>>
        %dma_start3A_1103 = tpu.memref_squeeze %dma_start3A_1102 : memref<1x32x128xf32, #tpu.memory_space<vmem>> -> memref<32x128xf32, #tpu.memory_space<vmem>>
        %dma_start3A_1104 = arith.constant 0 : i32
        %dma_start3A_1105 = tpu.memref_slice %arg4[%dma_start3A_1104, %multiple_of3A_1093] : memref<32x1000000xf32, #tpu.memory_space<hbm>> -> memref<32x128xf32, #tpu.memory_space<hbm>>
        %dma_start3A_1106 = arith.constant 0 : i32
        %dma_start3A_1107 = arith.constant 0 : i32
        %dma_start3A_1108 = tpu.memref_slice %arg9[%dma_start3A_1099, %dma_start3A_1106, %dma_start3A_1107] : memref<8x32x128xf32, #tpu.memory_space<vmem>> -> memref<1x32x128xf32, #tpu.memory_space<vmem>>
        %dma_start3A_1109 = tpu.memref_squeeze %dma_start3A_1108 : memref<1x32x128xf32, #tpu.memory_space<vmem>> -> memref<32x128xf32, #tpu.memory_space<vmem>>
        %dma_start3A_1110 = arith.constant 0 : i32
        %dma_start3A_1111 = tpu.memref_slice %arg4[%dma_start3A_1110, %multiple_of3A_1093] : memref<32x1000000xf32, #tpu.memory_space<hbm>> -> memref<32x128xf32, #tpu.memory_space<hbm>>
        tpu.enqueue_dma source(%dma_start3A_1111 : memref<32x128xf32, #tpu.memory_space<hbm>>) target(%dma_start3A_1109 : memref<32x128xf32, #tpu.memory_space<vmem>>) target_semaphore(%arg19 : memref<!tpu.dma_semaphore, #tpu.memory_space<semaphore_mem>>)
        %dma_start3A_1112 = arith.constant 7 : i32
        %dma_start3A_1113 = arith.constant 0 : i32
        %dma_start3A_1114 = arith.constant 0 : i32
        %dma_start3A_1115 = tpu.memref_slice %arg10[%dma_start3A_1112, %dma_start3A_1113, %dma_start3A_1114] : memref<8x32x128xf32, #tpu.memory_space<vmem>> -> memref<1x32x128xf32, #tpu.memory_space<vmem>>
        %dma_start3A_1116 = tpu.memref_squeeze %dma_start3A_1115 : memref<1x32x128xf32, #tpu.memory_space<vmem>> -> memref<32x128xf32, #tpu.memory_space<vmem>>
        %dma_start3A_1117 = arith.constant 0 : i32
        %dma_start3A_1118 = tpu.memref_slice %arg5[%dma_start3A_1117, %multiple_of3A_1098] : memref<32x1000000xf32, #tpu.memory_space<hbm>> -> memref<32x128xf32, #tpu.memory_space<hbm>>
        %dma_start3A_1119 = arith.constant 0 : i32
        %dma_start3A_1120 = arith.constant 0 : i32
        %dma_start3A_1121 = tpu.memref_slice %arg10[%dma_start3A_1112, %dma_start3A_1119, %dma_start3A_1120] : memref<8x32x128xf32, #tpu.memory_space<vmem>> -> memref<1x32x128xf32, #tpu.memory_space<vmem>>
        %dma_start3A_1122 = tpu.memref_squeeze %dma_start3A_1121 : memref<1x32x128xf32, #tpu.memory_space<vmem>> -> memref<32x128xf32, #tpu.memory_space<vmem>>
        %dma_start3A_1123 = arith.constant 0 : i32
        %dma_start3A_1124 = tpu.memref_slice %arg5[%dma_start3A_1123, %multiple_of3A_1098] : memref<32x1000000xf32, #tpu.memory_space<hbm>> -> memref<32x128xf32, #tpu.memory_space<hbm>>
        tpu.enqueue_dma source(%dma_start3A_1124 : memref<32x128xf32, #tpu.memory_space<hbm>>) target(%dma_start3A_1122 : memref<32x128xf32, #tpu.memory_space<vmem>>) target_semaphore(%arg19 : memref<!tpu.dma_semaphore, #tpu.memory_space<semaphore_mem>>)
      } else {
      }
      %jit3A_1064 = arith.constant 2 : i32
      %eq3A_1065 = arith.constant 0 : i32
      %eq3A_1066 = arith.cmpi eq, %jit3A_1064, %eq3A_1065 : i32
      %jit3A_1067 = arith.constant 1 : i32
      %select_n3A_1068 = arith.select %eq3A_1066, %jit3A_1067, %jit3A_1064 : i32
      %rem3A_1069 = arith.remsi %scan3A_332, %select_n3A_1068 : i32
      %ne3A_1070 = arith.constant 0 : i32
      %ne3A_1071 = arith.cmpi ne, %rem3A_1069, %ne3A_1070 : i32
      %lt3A_1072 = arith.constant 0 : i32
      %lt3A_1073 = arith.cmpi slt, %rem3A_1069, %lt3A_1072 : i32
      %lt3A_1074 = arith.constant 0 : i32
      %lt3A_1075 = arith.cmpi slt, %select_n3A_1068, %lt3A_1074 : i32
      %ne3A_1076 = arith.xori %lt3A_1073, %lt3A_1075 : i1
      %and3A_1077 = arith.andi %ne3A_1076, %ne3A_1071 : i1
      %add3A_1078 = arith.addi %rem3A_1069, %select_n3A_1068 : i32
      %select_n3A_1079 = arith.select %and3A_1077, %add3A_1078, %rem3A_1069 : i32
      %eq3A_1080 = arith.constant 1 : i32
      %eq3A_1081 = arith.cmpi eq, %select_n3A_1079, %eq3A_1080 : i32
      %convert_element_type3A_1082 = arith.extui %eq3A_1081 : i1 to i32
      %cond3A_1083 = arith.constant 0 : i32
      %cond3A_1084 = arith.cmpi ne, %convert_element_type3A_1082, %cond3A_1083 : i32
      scf.if %cond3A_1084 {
        %jit3A_1085 = arith.constant 2 : i32
        %div3A = arith.divsi %scan3A_332, %jit3A_1085 : i32
        %sign3A = arith.constant 0 : i32
        %sign3A_1086 = arith.cmpi sgt, %scan3A_332, %sign3A : i32
        %sign3A_1087 = arith.extui %sign3A_1086 : i1 to i32
        %sign3A_1088 = arith.constant 0 : i32
        %sign3A_1089 = arith.cmpi slt, %scan3A_332, %sign3A_1088 : i32
        %sign3A_1090 = arith.extui %sign3A_1089 : i1 to i32
        %sign3A_1091 = arith.subi %sign3A_1087, %sign3A_1090 : i32
        %sign3A_1092 = arith.constant 0 : i32
        %sign3A_1093 = arith.cmpi sgt, %jit3A_1085, %sign3A_1092 : i32
        %sign3A_1094 = arith.extui %sign3A_1093 : i1 to i32
        %sign3A_1095 = arith.constant 0 : i32
        %sign3A_1096 = arith.cmpi slt, %jit3A_1085, %sign3A_1095 : i32
        %sign3A_1097 = arith.extui %sign3A_1096 : i1 to i32
        %sign3A_1098 = arith.subi %sign3A_1094, %sign3A_1097 : i32
        %ne3A_1099 = arith.cmpi ne, %sign3A_1091, %sign3A_1098 : i32
        %rem3A_1100 = arith.remsi %scan3A_332, %jit3A_1085 : i32
        %ne3A_1101 = arith.constant 0 : i32
        %ne3A_1102 = arith.cmpi ne, %rem3A_1100, %ne3A_1101 : i32
        %and3A_1103 = arith.andi %ne3A_1099, %ne3A_1102 : i1
        %sub3A = arith.constant 1 : i32
        %sub3A_1104 = arith.subi %div3A, %sub3A : i32
        %select_n3A_1105 = arith.select %and3A_1103, %sub3A_1104, %div3A : i32
        %mul3A_1106 = arith.constant 16 : i32
        %mul3A_1107 = arith.muli %select_n3A_1105, %mul3A_1106 : i32
        %swap3A_1108 = arith.index_cast %mul3A_1107 : i32 to index
        %swap3A_1109 = tpu.vector_load %arg11[%swap3A_1108] {strides = array<i32>} : memref<512xf32, #tpu.memory_space<vmem>>, vector<16xf32>,
        tpu.vector_store %arg11[%swap3A_1108], %select_n3A_1058 {strides = array<i32>} : memref<512xf32, #tpu.memory_space<vmem>>, vector<16xf32>,
      } else {
      }
      scf.yield %select_n3A_1058 : vector<16xf32>
    }
    %scan3A_329 = arith.constant 64 : i32
    %mul3A_330 = arith.constant 512 : i32
    %mul3A_331 = arith.muli %add3A, %mul3A_330 : i32
    "tpu.region"() ({
      %run_scoped3A = tpu.sem_alloc : memref<!tpu.dma_semaphore, #tpu.memory_space<semaphore_mem>>
      %dma_start3A_332 = tpu.memref_slice %arg6[%mul3A_331] : memref<16384xf32, #tpu.memory_space<hbm>> -> memref<512xf32, #tpu.memory_space<hbm>>
      %dma_start3A_333 = tpu.memref_slice %arg6[%mul3A_331] : memref<16384xf32, #tpu.memory_space<hbm>> -> memref<512xf32, #tpu.memory_space<hbm>>
      tpu.enqueue_dma source(%arg11 : memref<512xf32, #tpu.memory_space<vmem>>) target(%dma_start3A_333 : memref<512xf32, #tpu.memory_space<hbm>>) target_semaphore(%run_scoped3A : memref<!tpu.dma_semaphore, #tpu.memory_space<semaphore_mem>>)
      %dma_wait3A = tpu.memref_slice %arg6[%mul3A_331] : memref<16384xf32, #tpu.memory_space<hbm>> -> memref<512xf32, #tpu.memory_space<hbm>>
      %dma_wait3A_334 = tpu.memref_slice %arg6[%mul3A_331] : memref<16384xf32, #tpu.memory_space<hbm>> -> memref<512xf32, #tpu.memory_space<hbm>>
      tpu.wait_dma2 semaphore(%run_scoped3A : memref<!tpu.dma_semaphore, #tpu.memory_space<semaphore_mem>>) src(%arg11 : memref<512xf32, #tpu.memory_space<vmem>>) dst(%dma_wait3A_334 : memref<512xf32, #tpu.memory_space<hbm>>)
      tpu.yield
    }) : () -> ()
    return
  }
}

</mosaic_0001>

<sc_bundles>
// kernel: kernel.3.cloned.1.call-start
scs
__scs_entry_jumppad:
0x0: {  	(pc) =	sbr.rel $0x88, $3  }
0x1: {  	(tag) =	ssettag $0x0;
	lr =	simm.s32 $0x1  }
0x2: {  	[smem:$0x3F9D] =	sst lr;
	_ =	strace $0xD0000000  }
0x3: {  	_ = 	snop  }
0x4: {  	_ = 	snop  }
0x5: {  	_ = 	snop  }
0x6: {  	_ = 	snop  }
0x7: {  	_ = 	snop  }
__scs_overlays_trampoline_lowered:
0x8: {  	[smem:$0x3FAC] =	sst s0  }
0x9: {  	[smem:$0x3FAD] =	sst s1  }
0xa: {  	[smem:$0x3FAE] =	sst s2  }
0xb: {  	[smem:$0x3FAF] =	sst s3  }
0xc: {  	[smem:$0x3FB0] =	sst s4  }
0xd: {  	[smem:$0x3FB1] =	sst s5  }
0xe: {  	[smem:$0x3FB2] =	sst s6  }
0xf: {  	[smem:$0x3FB3] =	sst s7  }
0x10: {  	[smem:$0x3FB4] =	sst s8  }
0x11: {  	[smem:$0x3FB5] =	sst s9;
	s0 =	simm.s32 @!p0 $0x0  }
0x12: {  	s1 =	sld [smem:$0x3F9B];
	s0 =	simm.s32 @p0 $0x1  }
0x13: {  	[smem:$0x3FB6] =	sst s0;
	s0 =	simm.s32 @!p1 $0x0  }
0x14: {  	s2 =	sld [smem:$0x3F9A];
	s0 =	simm.s32 @p1 $0x1  }
0x15: {  	[smem:$0x3FB7] =	sst s0;
	s0 =	simm.s32 @!p2 $0x0  }
0x16: {  	s3 =	sld [smem:$0x3FDB];
	s0 =	simm.s32 @p2 $0x1  }
0x17: {  	s4 =	simm.s32 $0x1BF5;
	[smem:$0x3FB9] =	sst s0  }
0x18: {  	s0 =	sld [smem:$0x3F9C];
	_ =	swait.ge [sflag:s4], $0x0  }
0x19: {  	s7 =	sld [smem:$0x3F9D]  }
0x1a: {  	s8 =	sadd.s32 $0xFFFFE003, lr  }
0x1b: {  	s9 =	sadd.s32 $0xFFFFFEF7, lr;
	s5 =	simm.s32 $0xFFFFFFFF;
	p2 =	slt.u32 s8, $0xFFFFF086  }
0x1c: {  	p1 =	slt.u32 s9, $0xF7A;
	s5 =	simm.s32 @!p2 $0x0  }
0x1d: {  	s5 =	simm.s32 @p1 $0x1;
	p0 =	seq.s32 s7, s2  }
0x1e: {  	s7 =	smul.u32 @!p0 $0xF7A, s2;
	p2 =	seq.s32 @!p0 s5, $0x0  }
0x1f: {  	s9 =	smul.u32 $0xF7A, s1;
	s8 =	simm.s32 @!p0 $0x1BF5;
	p2 =	por !p2, p0  }
0x20: {  	[sflag:s8] =	ssyncset.s32 @!p0 $0xFFFFF086;
	s6 =	sadd.s32 @!p0 s3, s7;
	s7 =	simm.s32 @!p0 $0x108  }
0x21: {  	s3 =	sadd.s32 s3, s9;
	s6 =	sadd.s32 @!p0 $0x88, s6;
	s7 =	simm.s32 @p2 $0x1082  }
0x22: {  	[simem:s7], [sflag:s8] =	dma.local @!p0 [hbm:s6], $0xF7A  }
0x23: {  	s9 =	sor.u32 $0xD0000000, s2;
	s6 =	simm.s32 $0x108;
	_ =	swait.ge @!p0 [sflag:s8], $0x0  }
0x24: {  	s3 =	sadd.s32 $0x88, s3;
	s6 =	simm.s32 @!p1 $0x1082;
	[sflag:s4] =	ssyncset.s32 $0xFFFFF086  }
0x25: {  	[simem:s6], [sflag:s4] =	dma.local [hbm:s3], $0xF7A  }
0x26: {  	[smem:$0x3F9D] =	sst s1;
	(tag) =	ssettag s2;
	_ =	strace s9  }
0x27: {  	s1 =	sld [smem:$0x3FAD]  }
0x28: {  	s2 =	sld [smem:$0x3FAE]  }
0x29: {  	s4 =	sld [smem:$0x3FB0]  }
0x2a: {  	p0 =	seq.s32 s5, $0x0;
	s5 =	sld [smem:$0x3FB1]  }
0x2b: {  	s6 =	sld [smem:$0x3FB2]  }
0x2c: {  	s7 =	sld [smem:$0x3FB3]  }
0x2d: {  	s3 =	simm.s32 $0x108;
	s8 =	sld [smem:$0x3FB4]  }
0x2e: {  	s3 =	simm.s32 @!p0 $0x1082;
	s9 =	sld [smem:$0x3FB5]  }
0x2f: {  	lr =	sadd.s32 s0, s3;
	s0 =	sld [smem:$0x3FAC]  }
0x30: {  	s3 =	sld [smem:$0x3FAF]  }
0x31: {  	[smem:$0x3FB8] =	sst s10  }
0x32: {  	s10 =	sld [smem:$0x3FB6];
	_ =	sdelay $0x3  }
0x33: {  	p0 =	seq.s32 s10, $0x1;
	s10 =	sld [smem:$0x3FB8];
	_ =	sdelay $0x3  }
0x34: {  	[smem:$0x3FB8] =	sst s10  }
0x35: {  	s10 =	sld [smem:$0x3FB7];
	_ =	sdelay $0x3  }
0x36: {  	p1 =	seq.s32 s10, $0x1;
	s10 =	sld [smem:$0x3FB8];
	_ =	sdelay $0x3  }
0x37: {  	[smem:$0x3FB8] =	sst s10  }
0x38: {  	s10 =	sld [smem:$0x3FB9]  }
0x39: {  	_ = 	snop;
	(pc) =	sbr.ind lr, $3  }
0x3a: {  	_ = 	snop  }
0x3b: {  	_ = 	snop  }
0x3c: {  	p2 =	seq.s32 s10, $0x1;
	s10 =	sld [smem:$0x3FB8]  }
0x3d: {  	_ =	shalt  }
0x3e: {  	_ =	shalt  }
0x3f: {  	_ =	shalt  }
0x40: {  	_ =	shalt  }
0x41: {  	_ =	shalt  }
0x42: {  	_ =	shalt  }
0x43: {  	_ =	shalt  }
0x44: {  	_ =	shalt  }
0x45: {  	_ =	shalt  }
0x46: {  	_ =	shalt  }
0x47: {  	_ =	shalt  }
0x48: {  	_ =	shalt  }
0x49: {  	_ =	shalt  }
0x4a: {  	_ =	shalt  }
0x4b: {  	_ =	shalt  }
0x4c: {  	_ =	shalt  }
0x4d: {  	_ =	shalt  }
0x4e: {  	_ =	shalt  }
0x4f: {  	_ =	shalt  }
0x50: {  	_ =	shalt  }
0x51: {  	_ =	shalt  }
0x52: {  	_ =	shalt  }
0x53: {  	_ =	shalt  }
0x54: {  	_ =	shalt  }
0x55: {  	_ =	shalt  }
0x56: {  	_ =	shalt  }
0x57: {  	_ =	shalt  }
0x58: {  	_ =	shalt  }
0x59: {  	_ =	shalt  }
0x5a: {  	_ =	shalt  }
0x5b: {  	_ =	shalt  }
0x5c: {  	_ =	shalt  }
0x5d: {  	_ =	shalt  }
0x5e: {  	_ =	shalt  }
0x5f: {  	_ =	shalt  }
0x60: {  	_ =	shalt  }
0x61: {  	_ =	shalt  }
0x62: {  	_ =	shalt  }
0x63: {  	_ =	shalt  }
0x64: {  	_ =	shalt  }
0x65: {  	_ =	shalt  }
0x66: {  	_ =	shalt  }
0x67: {  	_ =	shalt  }
0x68: {  	_ =	shalt  }
0x69: {  	_ =	shalt  }
0x6a: {  	_ =	shalt  }
0x6b: {  	_ =	shalt  }
0x6c: {  	_ =	shalt  }
0x6d: {  	_ =	shalt  }
0x6e: {  	_ =	shalt  }
0x6f: {  	_ =	shalt  }
0x70: {  	_ =	shalt  }
0x71: {  	_ =	shalt  }
0x72: {  	_ =	shalt  }
0x73: {  	_ =	shalt  }
0x74: {  	_ =	shalt  }
0x75: {  	_ =	shalt  }
0x76: {  	_ =	shalt  }
0x77: {  	_ =	shalt  }
0x78: {  	_ =	shalt  }
0x79: {  	_ =	shalt  }
0x7a: {  	_ =	shalt  }
0x7b: {  	_ =	shalt  }
0x7c: {  	_ =	shalt  }
0x7d: {  	_ =	shalt  }
0x7e: {  	_ =	shalt  }
0x7f: {  	_ =	shalt  }
0x80: {  	_ =	shalt  }
0x81: {  	_ =	shalt  }
0x82: {  	_ =	shalt  }
0x83: {  	_ =	shalt  }
0x84: {  	_ =	shalt  }
0x85: {  	_ =	shalt  }
0x86: {  	_ =	shalt  }
0x87: {  	_ =	shalt  }
.Lfunc_end0:
.L_simem_size_0:
called_computation_lowered:
.L_overlay_start_0:
0x88: {  	s2 =	sld [smem:$0x3FD9]  }
0x89: {  	s3 =	sld [smem:$0x3FFE];
	_ =	sdelay $0x1  }
0x8a: {  	s1 =	srdreg.scid  }
0x8b: {  	s0 =	sand.u32 $0x1, s1  }
0x8c: {  	s17 =	sshll.u32 s0, $0xA;
	s2 =	sadd.s32 s3, s2  }
0x8d: {  	s2 =	sadd.s32 s2, s17  }
0x8e: {  	[smem:$0x3FC4] =	sst s2  }
0x8f: {  	_ = 	snop  }
0x90: {  	s2 =	sld [smem:$0x3FC7]  }
0x91: {  	s18 =	sld [smem:$0x3FC6]  }
0x92: {  	s4 =	sld [smem:$0x3FD0];
	(tm) =	ssettm $0x1  }
0x93: {  	s5 =	sld [smem:$0x3FFB];
	_ =	sdelay $0x3  }
0x94: {  	_ =	strace s5  }
0x95: {  	s5 =	sld [smem:$0x3FFC];
	_ =	sdelay $0x3  }
0x96: {  	_ =	strace s5  }
0x97: {  	s5 =	sld [smem:$0x3FFD];
	_ =	sdelay $0x3  }
0x98: {  	_ =	strace s5  }
0x99: {  	_ =	strace $0x8FFFFFFF  }
0x9a: {  	s19 =	sld [smem:$0x3FDB];
	_ =	sdelay $0x1  }
0x9b: {  	s6 =	simm.s32 $_scs_section_size  }
0x9c: {  	s7 =	simm.s32 $_size__tile_overlayer_lowered;
	s8 =	simm.s32 $_tile_overlayer_lowered  }
0x9d: {  	s22 =	simm.s32 $0x1BFF;
	s21 =	sshll.u32 s8, $0x1;
	s5 =	sadd.s32 s6, s19  }
0x9e: {  	s9 =	simm.s32 $0x0;
	s20 =	sshll.u32 s7, $0x1;
	s7 =	sadd.s32 s21, s5  }
0x9f: {  	[timem:s9], [sflag:s22] =	dma.local [hbm:s7], s20  }
0xa0: {  	_ =	swait.ge [sflag:s22], s20  }
0xa1: {  	s6 =	ssub.s32 $0x0, s20;
	[sflag:s22] =	ssyncset.done $0x0  }
0xa2: {  	[sflag:s22] =	ssyncadd.s32 s6;
	_ =	sdelay $0x1  }
0xa3: {  	s23 =	simm.s32 $0x1B8B  }
0xa4: {  	_ =	swait.ge [sflag:s23], $0x1  }
0xa5: {  	[sflag:s23] =	ssyncset.done $0x0  }
0xa6: {  	s25 =	simm.s32 $0x1B8E;
	s24 =	sld [smem:$0x3FFE];
	[sflag:s23] =	ssyncadd.s32 $0xFFFFFFFF  }
0xa7: {  	s26 =	simm.s32 $execute0_lowered;
	[smem:$0x3FD2] =	sst s25  }
0xa8: {  	s7 =	sshll.u32 s26, $0x1;
	_ =	strace $0x80000046;
	[dreg:$0x1] =	wrdreg $0xFFFFFFFF  }
0xa9: {  	s28 =	simm.s32 $_size_execute0_lowered;
	s5 =	sadd.s32 s5, s7;
	[dreg:$0x0] =	wrdreg $0x0  }
0xaa: {  	s7 =	sshll.u32 s28, $0x1;
	[dreg:$0x2] =	wrdreg s5  }
0xab: {  	[dreg:$0x3] =	wrdreg s7  }
0xac: {  	[dreg:$0x4] =	wrdreg $0xC0  }
0xad: {  	_ =	task [dreg:s9], $0x5FFFF  }
0xae: {  	[dreg:$0x1] =	wrdreg $0xFFFFFFFF  }
0xaf: {  	[dreg:$0x0] =	wrdreg $0x60  }
0xb0: {  	[dreg:$0x2] =	wrdreg s24  }
0xb1: {  	[dreg:$0x3] =	wrdreg s2  }
0xb2: {  	[dreg:$0x4] =	wrdreg s18  }
0xb3: {  	[dreg:$0x5] =	wrdreg s4  }
0xb4: {  	[dreg:$0x6] =	wrdreg $0x9  }
0xb5: {  	_ =	task.clear_ibuf [dreg:s9], $0x7FFFF;
	_ =	strace $0x90000046  }
0xb6: {  	s29 =	simm.s32 $0x9;
	_ =	strace $0x80000048  }
0xb7: {  	_ =	swait.ge [sflag:s29], $0x1  }
0xb8: {  	[sflag:s29] =	ssyncadd.s32 $0xFFFFFFFF  }
0xb9: {  	_ =	strace $0x90000048  }
0xba: {  	_ =	sfence  }
0xbb: {  	s30 =	sld [smem:$0x0];
	_ =	sdelay $0x2  }
0xbc: {  	s31 =	sshll.u32 s1, $0xD;
	s1 =	sshrl.u32 s1, $0x2  }
0xbd: {  	s3 =	sand.u32 $0x4000, s31;
	s1 =	sadd.s32 s1, s30  }
0xbe: {  	s0 =	sor.u32 s3, s0;
	s1 =	sshll.u32 s1, $0x11  }
0xbf: {  	s0 =	sor.u32 s1, s0  }
0xc0: {  	s0 =	sadd.s32 $0x8F2B, s0  }
0xc1: {  	[sflag:s0] =	ssyncadd.remote.s32 $0x1  }
0xc2: {  	_ =	sfence.sel $0xFFFF  }
0xc3: {  	[dreg:$0x0] =	wrdreg $0xFFFFFFFF;
	(pc) =	sbr.abs _section_cstart, $3  }
0xc4: {  	[dreg:$0x1] =	wrdreg $0xFFFFFFFF  }
0xc5: {  	_ =	task.clear_ibuf [dreg:s9], $0x2FFFF;
	_ =	strace $0x9FFFFFFF  }
0xc6: {  	(tm) =	ssettm $0x7FFFFFFF  }
0xc7: {  	_ =	shalt  }
tec
execute0_lowered:
.L_overlay_start_1:
0x0: {  	(tag) =	ssettag $0x1  }
0x1: {  	s0 =	rddreg [dreg:$0x0]  }
0x2: {  	s1 =	rddreg [dreg:$0x1]  }
0x3: {  	s2 =	srdreg.scid;
	s3 =	rddreg [dreg:$0x2]  }
0x4: {  	s6 =	stileid.u32;
	s5 =	rddreg [dreg:$0x3];
	s8 =	simm.s32 $0x0  }
0x5: {  	s13 =	simm.s32 $0x9;
	s19 =	simm.s32 $0x1500;
	s21 =	simm.s32 $0x2500  }
0x6: {  	s22 =	simm.s32 $0xA500;
	s23 =	simm.s32 $0x3500;
	s28 =	simm.s32 $0x5500  }
0x7: {  	s29 =	simm.s32 $0xD500;
	s30 =	simm.s32 $0x6500;
	s18 =	simm.s32 $0xE500  }
0x8: {  	s17 =	simm.s32 $0x7500;
	s20 =	simm.s32 $0xF500;
	s31 =	simm.s32 $0x1  }
0x9: {  	s12 =	simm.s32 $0x4;
	s2 =	sand.u32 $0x1, s2;
	s4 =	sshll.u32 s6, $0x1  }
0xa: {  	s9 =	simm.s32 $0x6;
	s10 =	simm.s32 $0x0;
	s4 =	sor.u32 s2, s4  }
0xb: {  	s6 =	sshll.u32 s6, $0x7;
	s2 =	ssub.s32 $0x2, s2;
	s7 =	sshll.u32 s4, $0x4  }
0xc: {  	[smem:$0x7FF] =	sst s8;
	s24 =	sshrl.u32 s2, $0x1;
	s6 =	sor.u32 s6, s7  }
0xd: {  	_ =	strace $0x80000047;
	s2 =	ssub.s32 s2, s24;
	s6 =	sand.u32 $0x670, s6  }
0xe: {  	s25 =	sshll.u32 s4, $0x6;
	s26 =	smax.u32 s2, $0x1;
	s0 =	sadd.s32 s6, s0  }
0xf: {  	s4 =	simm.s32 $0x5;
	[dreg:$0x8] =	wrdreg s26;
	s6 =	sadd.s32 $0x400, s0  }
0x10: {  	v0 =	vlaneseq.u32;
	s24 =	simm.s32 $0xB500;
	s0 =	sadd.s32 $0xC00, s0;
	[dreg:$0x5] =	wrdreg s6  }
0x11: {  	v1 =	vmul.u32 $0x80, v0;
	s2 =	simm.s32 $0x2;
	s26 =	simm.s32 $0xC500;
	[dreg:$0x6] =	wrdreg s0  }
0x12: {  	s0 =	sadd.s32 s5, s25;
	s25 =	simm.s32 $0x4500;
	s5 =	simm.s32 $0x7  }
0x13: {  	v2 =	vimm.s32 $0x0;
	v3 =	vor.u32 $0x800, v1;
	s6 =	simm.s32 $0x8;
	[dreg:$0x7] =	wrdreg s0;
	s0 =	simm.s32 $0x3  }
.LBB2_1:
0x14: {  	[dreg:$0x9] =	wrdreg s10  }
0x15: {  	s7 =	rddreg [dreg:$0x5];
	s16 =	simm.s32 $0x80;
	s11 =	simm.s32 $0x400  }
0x16: {  	[tilespmem:s8], [sflag:$0x9] =	stream.strided.gather [hbm4b:s7+s16], $0x200, s11, s16, $0x38;
	[tilespmem:$0x10700] =	vst v63  }
0x17: {  	_ =	swait.ge [sflag:s13], $0x200  }
0x18: {  	[sflag:s13] =	ssyncset.done $0x0  }
0x19: {  	s14 =	simm.s32 $0x280;
	s8 =	rddreg [dreg:$0x6];
	[sflag:s13] =	ssyncadd.s32 $0xFFFFFE00  }
0x1a: {  	[tilespmem:s14], [sflag:$0x9] =	stream.strided.gather [hbm4b:s8+s16], $0x200, s11, s16, $0x38;
	[tilespmem:$0x10700] =	vst v63  }
0x1b: {  	_ =	swait.ge [sflag:s13], $0x200  }
0x1c: {  	[sflag:s13] =	ssyncset.done $0x0  }
0x1d: {  	[sflag:s13] =	ssyncadd.s32 $0xFFFFFE00  }
0x1e: {  	v4 =	vld [tilespmem:$0x0]  }
0x1f: {  	v5 =	vld [tilespmem:$0x280];
	_ =	sdelay $0x3  }
0x20: {  	(v2sf) =	vpush v4, $0x0  }
0x21: {  	(v2sf) =	vpush v5, $0x0;
	_ =	sdelay $0x5  }
0x22: {  	(v2sf) =	vpush v4, $0x1;
	_ =	sdelay $0x1  }
0x23: {  	(v2sf) =	vpush v5, $0x1;
	_ =	sdelay $0x5  }
0x24: {  	s15 =	spop (v2sf);
	(v2sf) =	vpush v4, $0x2  }
0x25: {  	s8 =	spop (v2sf);
	(v2sf) =	vpush v5, $0x2;
	_ =	sdelay $0x4  }
0x26: {  	s10 =	simm.s32 $0x7A1400;
	[tilespmem:$0x200] =	vst v2;
	s7 =	sand.u32 $0xFFFFF80, s15  }
0x27: {  	s16 =	simm.s32 $0x500;
	[tilespmem:$0x480] =	vst v2;
	s7 =	sadd.s32 s1, s7;
	s14 =	spop (v2sf);
	(v2sf) =	vpush v4, $0x3  }
0x28: {  	[tilespmem:s16], [sflag:$0x1] =	stream.strided.gather [hbm4b:s7+s11], $0x1000, s10, s11, $0x38;
	[tilespmem:$0x10700] =	vst v63  }
0x29: {  	s7 =	sand.u32 $0xFFFFF80, s8;
	s15 =	spop (v2sf);
	(v2sf) =	vpush v5, $0x3  }
0x2a: {  	s13 =	simm.s32 $0x8500;
	s7 =	sadd.s32 s3, s7  }
0x2b: {  	[tilespmem:s13], [sflag:$0x1] =	stream.strided.gather [hbm4b:s7+s11], $0x1000, s10, s11, $0x38;
	[tilespmem:$0x10700] =	vst v63  }
0x2c: {  	s7 =	sand.u32 $0xFFFFF80, s14  }
0x2d: {  	s7 =	sadd.s32 s1, s7  }
0x2e: {  	[tilespmem:s19], [sflag:$0x2] =	stream.strided.gather [hbm4b:s7+s11], $0x1000, s10, s11, $0x38;
	[tilespmem:$0x10700] =	vst v63  }
0x2f: {  	s7 =	sand.u32 $0xFFFFF80, s15;
	s19 =	spop (v2sf);
	(v2sf) =	vpush v4, $0x4  }
0x30: {  	s16 =	simm.s32 $0x9500;
	s7 =	sadd.s32 s3, s7;
	s8 =	spop (v2sf);
	(v2sf) =	vpush v5, $0x4  }
0x31: {  	[tilespmem:s16], [sflag:$0x2] =	stream.strided.gather [hbm4b:s7+s11], $0x1000, s10, s11, $0x38;
	[tilespmem:$0x10700] =	vst v63  }
0x32: {  	s7 =	sand.u32 $0xFFFFF80, s19;
	(v2sf) =	vpush v4, $0x5  }
0x33: {  	s7 =	sadd.s32 s1, s7  }
0x34: {  	[tilespmem:s21], [sflag:$0x3] =	stream.strided.gather [hbm4b:s7+s11], $0x1000, s10, s11, $0x38;
	[tilespmem:$0x10700] =	vst v63  }
0x35: {  	s7 =	sand.u32 $0xFFFFF80, s8  }
0x36: {  	s13 =	spop (v2sf);
	s7 =	sadd.s32 s3, s7  }
0x37: {  	(v2sf) =	vpush v5, $0x5;
	[tilespmem:s22], [sflag:$0x3] =	stream.strided.gather [hbm4b:s7+s11], $0x1000, s10, s11, $0x38;
	[tilespmem:$0x10700] =	vst v63  }
0x38: {  	s14 =	spop (v2sf);
	(v2sf) =	vpush v4, $0x6;
	s7 =	sand.u32 $0xFFFFF80, s13  }
0x39: {  	s7 =	sadd.s32 s1, s7  }
0x3a: {  	[tilespmem:s23], [sflag:$0x4] =	stream.strided.gather [hbm4b:s7+s11], $0x1000, s10, s11, $0x38;
	[tilespmem:$0x10700] =	vst v63  }
0x3b: {  	s7 =	sand.u32 $0xFFFFF80, s14  }
0x3c: {  	s7 =	sadd.s32 s3, s7  }
0x3d: {  	[tilespmem:s24], [sflag:$0x4] =	stream.strided.gather [hbm4b:s7+s11], $0x1000, s10, s11, $0x38;
	[tilespmem:$0x10700] =	vst v63  }
0x3e: {  	s15 =	spop (v2sf);
	(v2sf) =	vpush v5, $0x6  }
0x3f: {  	s16 =	spop (v2sf);
	(v2sf) =	vpush v4, $0x7  }
0x40: {  	s7 =	sand.u32 $0xFFFFF80, s15  }
0x41: {  	s7 =	sadd.s32 s1, s7;
	s19 =	spop (v2sf)  }
0x42: {  	(v2sf) =	vpush v5, $0x7;
	[tilespmem:s25], [sflag:$0x5] =	stream.strided.gather [hbm4b:s7+s11], $0x1000, s10, s11, $0x38;
	[tilespmem:$0x10700] =	vst v63  }
0x43: {  	s7 =	sand.u32 $0xFFFFF80, s16  }
0x44: {  	s7 =	sadd.s32 s3, s7  }
0x45: {  	[tilespmem:s26], [sflag:$0x5] =	stream.strided.gather [hbm4b:s7+s11], $0x1000, s10, s11, $0x38;
	[tilespmem:$0x10700] =	vst v63  }
0x46: {  	s21 =	spop (v2sf);
	s7 =	sand.u32 $0xFFFFF80, s19  }
0x47: {  	s22 =	sand.u32 $0xFFFFF80, s21;
	s23 =	spop (v2sf);
	s7 =	sadd.s32 s1, s7  }
0x48: {  	[tilespmem:s28], [sflag:$0x6] =	stream.strided.gather [hbm4b:s7+s11], $0x1000, s10, s11, $0x38;
	[tilespmem:$0x10700] =	vst v63  }
0x49: {  	s24 =	sand.u32 $0xFFFFF80, s23;
	s7 =	sadd.s32 s3, s22  }
0x4a: {  	[tilespmem:s29], [sflag:$0x6] =	stream.strided.gather [hbm4b:s7+s11], $0x1000, s10, s11, $0x38;
	[tilespmem:$0x10700] =	vst v63  }
0x4b: {  	s7 =	sadd.s32 s1, s24  }
0x4c: {  	[tilespmem:s30], [sflag:$0x7] =	stream.strided.gather [hbm4b:s7+s11], $0x1000, s10, s11, $0x38;
	[tilespmem:$0x10700] =	vst v63  }
0x4d: {  	s25 =	spop (v2sf)  }
0x4e: {  	s26 =	sand.u32 $0xFFFFF80, s25;
	s28 =	spop (v2sf)  }
0x4f: {  	s7 =	sadd.s32 s3, s26;
	s29 =	sand.u32 $0xFFFFF80, s28  }
0x50: {  	[tilespmem:s18], [sflag:$0x7] =	stream.strided.gather [hbm4b:s7+s11], $0x1000, s10, s11, $0x38;
	[tilespmem:$0x10700] =	vst v63  }
0x51: {  	s30 =	spop (v2sf);
	s7 =	sadd.s32 s1, s29  }
0x52: {  	[tilespmem:s17], [sflag:$0x8] =	stream.strided.gather [hbm4b:s7+s11], $0x1000, s10, s11, $0x38;
	[tilespmem:$0x10700] =	vst v63  }
0x53: {  	s7 =	sand.u32 $0xFFFFF80, s30  }
0x54: {  	s7 =	sadd.s32 s3, s7  }
0x55: {  	[tilespmem:s20], [sflag:$0x8] =	stream.strided.gather [hbm4b:s7+s11], $0x1000, s10, s11, $0x38;
	[tilespmem:$0x10700] =	vst v63  }
0x56: {  	s8 =	simm.s32 $0x0;
	v4 =	vimm.f32 $0.0e+00;
	s11 =	simm.s32 $0x0  }
.LBB2_2:
0x57: {  	s7 =	sshra.s32 s8, $0x2  }
0x58: {  	v7 =	vld [tilespmem:s7+$0x0]  }
0x59: {  	v8 =	vld [tilespmem:s7+$0x280]  }
0x5a: {  	v6 =	vld [tilespmem:s7+$0x8]  }
0x5b: {  	v5 =	vld [tilespmem:s7+$0x288];
	_ =	swait.ge [sflag:s31], $0x1000  }
0x5c: {  	[sflag:s31] =	ssyncset.done $0x0  }
0x5d: {  	[sflag:s31] =	ssyncadd.s32 $0xFFFFF000  }
0x5e: {  	_ =	swait.ge [sflag:s31], $0x1000  }
0x5f: {  	(v2sf) =	vpush v7, $0x0;
	_ =	sdelay $0x1  }
0x60: {  	(v2sf) =	vpush v8, $0x0;
	_ =	sdelay $0xc  }
0x61: {  	s13 =	spop (v2sf)  }
0x62: {  	s7 =	sand.u32 $0x7F, s13  }
0x63: {  	s13 =	spop (v2sf);
	v9 =	vor.u32 s7, v1  }
0x64: {  	s13 =	sand.u32 $0x7F, s13;
	v10 =	vor.u32 s7, v3  }
0x65: {  	v11 =	vor.u32 s13, v1  }
0x66: {  	[sflag:s31] =	ssyncset.done $0x0;
	v12 =	vor.u32 s13, v3  }
0x67: {  	p0 =	seq.s32 s8, $0x7E0;
	s14 =	simm.s32 $0x500;
	[sflag:s31] =	ssyncadd.s32 $0xFFFFF000  }
0x68: {  	(v2sf) =	vpush @!p0 v6, $0x0;
	v9 =	vld.idx.msk [tilespmem:v9+s14+$0x0], $0xffff  }
0x69: {  	s15 =	simm.s32 $0x8500;
	v10 =	vld.idx.msk [tilespmem:v10+s14+$0x0], $0xffff  }
0x6a: {  	v11 =	vld.idx.msk [tilespmem:v11+s15+$0x0], $0xffff  }
0x6b: {  	v12 =	vld.idx.msk [tilespmem:v12+s15+$0x0], $0xffff  }
0x6c: {  	(v2sf) =	vpush @!p0 v5, $0x0;
	_ =	sdelay $0x3  }
0x6d: {  	v9 =	vmul.f32 v11, v9;
	v10 =	vmul.f32 v12, v10;
	_ =	sdelay $0x1  }
0x6e: {  	v9 =	vadd.f32 v10, v9;
	_ =	sdelay $0x1  }
0x6f: {  	(xrf2) =	vadd.scan.msk.f32 $0xffff, v9;
	_ =	sdelay $0x2  }
0x70: {  	s7 =	spop @!p0 (v2sf)  }
0x71: {  	s13 =	simm.s32 @!p0 $0x7A1400;
	s7 =	sand.u32 @!p0 $0xFFFFF80, s7  }
0x72: {  	s14 =	simm.s32 @!p0 $0x500;
	s10 =	sadd.s32 @!p0 s1, s7;
	s7 =	simm.s32 @!p0 $0x400  }
0x73: {  	[tilespmem:s14], [sflag:$0x1] =	stream.strided.gather @!p0 [hbm4b:s10+s7], $0x1000, s13, s7, $0x38;
	[tilespmem:$0x10700] =	vst v63  }
0x74: {  	s10 =	spop @!p0 (v2sf)  }
0x75: {  	s10 =	sand.u32 @!p0 $0xFFFFF80, s10  }
0x76: {  	s14 =	simm.s32 @!p0 $0x8500;
	s10 =	sadd.s32 @!p0 s3, s10  }
0x77: {  	[tilespmem:s14], [sflag:$0x1] =	stream.strided.gather @!p0 [hbm4b:s10+s7], $0x1000, s13, s7, $0x38;
	v9, _, _ =	vpop (xrf2);
	[tilespmem:$0x10700] =	vst v63  }
0x78: {  	_ =	swait.ge [sflag:s2], $0x1000  }
0x79: {  	[sflag:s2] =	ssyncset.done $0x0  }
0x7a: {  	[sflag:s2] =	ssyncadd.s32 $0xFFFFF000  }
0x7b: {  	_ =	swait.ge [sflag:s2], $0x1000  }
0x7c: {  	(v2sf) =	vpush v7, $0x1;
	_ =	sdelay $0x1  }
0x7d: {  	(v2sf) =	vpush v8, $0x1;
	_ =	sdelay $0xc  }
0x7e: {  	s16 =	spop (v2sf)  }
0x7f: {  	s10 =	sand.u32 $0x7F, s16  }
0x80: {  	s17 =	spop (v2sf);
	v41 =	vor.u32 s10, v1  }
0x81: {  	s14 =	sand.u32 $0x7F, s17;
	v42 =	vor.u32 s10, v3  }
0x82: {  	v43 =	vor.u32 s14, v1  }
0x83: {  	[sflag:s2] =	ssyncset.done $0x0;
	v13 =	vor.u32 s14, v3  }
0x84: {  	s18 =	simm.s32 $0x1500;
	[sflag:s2] =	ssyncadd.s32 $0xFFFFF000  }
0x85: {  	(v2sf) =	vpush @!p0 v6, $0x1;
	v10 =	vld.idx.msk [tilespmem:v41+s18+$0x0], $0xffff  }
0x86: {  	s20 =	simm.s32 $0x9500;
	v11 =	vld.idx.msk [tilespmem:v42+s18+$0x0], $0xffff  }
0x87: {  	v12 =	vld.idx.msk [tilespmem:v43+s20+$0x0], $0xffff  }
0x88: {  	v13 =	vld.idx.msk [tilespmem:v13+s20+$0x0], $0xffff  }
0x89: {  	(v2sf) =	vpush @!p0 v5, $0x1;
	_ =	sdelay $0x3  }
0x8a: {  	v10 =	vmul.f32 v12, v10;
	v11 =	vmul.f32 v13, v11;
	_ =	sdelay $0x1  }
0x8b: {  	v10 =	vadd.f32 v11, v10;
	_ =	sdelay $0x1  }
0x8c: {  	(xrf2) =	vadd.scan.msk.f32 $0xffff, v10;
	_ =	sdelay $0x2  }
0x8d: {  	s10 =	spop @!p0 (v2sf)  }
0x8e: {  	s10 =	sand.u32 @!p0 $0xFFFFF80, s10  }
0x8f: {  	s14 =	simm.s32 @!p0 $0x1500;
	s10 =	sadd.s32 @!p0 s1, s10  }
0x90: {  	[tilespmem:s14], [sflag:$0x2] =	stream.strided.gather @!p0 [hbm4b:s10+s7], $0x1000, s13, s7, $0x38;
	[tilespmem:$0x10700] =	vst v63  }
0x91: {  	s10 =	spop @!p0 (v2sf)  }
0x92: {  	s10 =	sand.u32 @!p0 $0xFFFFF80, s10  }
0x93: {  	s14 =	simm.s32 @!p0 $0x9500;
	s10 =	sadd.s32 @!p0 s3, s10  }
0x94: {  	[tilespmem:s14], [sflag:$0x2] =	stream.strided.gather @!p0 [hbm4b:s10+s7], $0x1000, s13, s7, $0x38;
	v10, _, _ =	vpop (xrf2);
	[tilespmem:$0x10700] =	vst v63  }
0x95: {  	_ =	swait.ge [sflag:s0], $0x1000  }
0x96: {  	[sflag:s0] =	ssyncset.done $0x0  }
0x97: {  	[sflag:s0] =	ssyncadd.s32 $0xFFFFF000  }
0x98: {  	_ =	swait.ge [sflag:s0], $0x1000  }
0x99: {  	(v2sf) =	vpush v7, $0x2;
	_ =	sdelay $0x1  }
0x9a: {  	(v2sf) =	vpush v8, $0x2;
	_ =	sdelay $0xc  }
0x9b: {  	s21 =	spop (v2sf)  }
0x9c: {  	s10 =	sand.u32 $0x7F, s21  }
0x9d: {  	s22 =	spop (v2sf);
	v44 =	vor.u32 s10, v1  }
0x9e: {  	s14 =	sand.u32 $0x7F, s22;
	v45 =	vor.u32 s10, v3  }
0x9f: {  	v46 =	vor.u32 s14, v1  }
0xa0: {  	[sflag:s0] =	ssyncset.done $0x0;
	v14 =	vor.u32 s14, v3  }
0xa1: {  	s23 =	simm.s32 $0x2500;
	[sflag:s0] =	ssyncadd.s32 $0xFFFFF000  }
0xa2: {  	(v2sf) =	vpush @!p0 v6, $0x2;
	v11 =	vld.idx.msk [tilespmem:v44+s23+$0x0], $0xffff  }
0xa3: {  	s24 =	simm.s32 $0xA500;
	v12 =	vld.idx.msk [tilespmem:v45+s23+$0x0], $0xffff  }
0xa4: {  	v13 =	vld.idx.msk [tilespmem:v46+s24+$0x0], $0xffff  }
0xa5: {  	v14 =	vld.idx.msk [tilespmem:v14+s24+$0x0], $0xffff  }
0xa6: {  	(v2sf) =	vpush @!p0 v5, $0x2;
	_ =	sdelay $0x3  }
0xa7: {  	v11 =	vmul.f32 v13, v11;
	v12 =	vmul.f32 v14, v12;
	_ =	sdelay $0x1  }
0xa8: {  	v11 =	vadd.f32 v12, v11;
	_ =	sdelay $0x1  }
0xa9: {  	(xrf2) =	vadd.scan.msk.f32 $0xffff, v11;
	_ =	sdelay $0x2  }
0xaa: {  	s10 =	spop @!p0 (v2sf)  }
0xab: {  	s10 =	sand.u32 @!p0 $0xFFFFF80, s10  }
0xac: {  	s14 =	simm.s32 @!p0 $0x2500;
	s10 =	sadd.s32 @!p0 s1, s10  }
0xad: {  	[tilespmem:s14], [sflag:$0x3] =	stream.strided.gather @!p0 [hbm4b:s10+s7], $0x1000, s13, s7, $0x38;
	[tilespmem:$0x10700] =	vst v63  }
0xae: {  	s10 =	spop @!p0 (v2sf)  }
0xaf: {  	s10 =	sand.u32 @!p0 $0xFFFFF80, s10  }
0xb0: {  	s14 =	simm.s32 @!p0 $0xA500;
	s10 =	sadd.s32 @!p0 s3, s10  }
0xb1: {  	[tilespmem:s14], [sflag:$0x3] =	stream.strided.gather @!p0 [hbm4b:s10+s7], $0x1000, s13, s7, $0x38;
	v11, _, _ =	vpop (xrf2);
	[tilespmem:$0x10700] =	vst v63  }
0xb2: {  	_ =	swait.ge [sflag:s12], $0x1000  }
0xb3: {  	[sflag:s12] =	ssyncset.done $0x0  }
0xb4: {  	[sflag:s12] =	ssyncadd.s32 $0xFFFFF000  }
0xb5: {  	_ =	swait.ge [sflag:s12], $0x1000  }
0xb6: {  	(v2sf) =	vpush v7, $0x3;
	_ =	sdelay $0x1  }
0xb7: {  	(v2sf) =	vpush v8, $0x3;
	_ =	sdelay $0xc  }
0xb8: {  	s25 =	spop (v2sf)  }
0xb9: {  	s10 =	sand.u32 $0x7F, s25  }
0xba: {  	s26 =	spop (v2sf);
	v47 =	vor.u32 s10, v1  }
0xbb: {  	s14 =	sand.u32 $0x7F, s26;
	v48 =	vor.u32 s10, v3  }
0xbc: {  	v49 =	vor.u32 s14, v1  }
0xbd: {  	[sflag:s12] =	ssyncset.done $0x0;
	v15 =	vor.u32 s14, v3  }
0xbe: {  	[sflag:s12] =	ssyncadd.s32 $0xFFFFF000;
	s14 =	simm.s32 $0x3500  }
0xbf: {  	(v2sf) =	vpush @!p0 v6, $0x3;
	v12 =	vld.idx.msk [tilespmem:v47+s14+$0x0], $0xffff  }
0xc0: {  	s15 =	simm.s32 $0xB500;
	v13 =	vld.idx.msk [tilespmem:v48+s14+$0x0], $0xffff  }
0xc1: {  	v14 =	vld.idx.msk [tilespmem:v49+s15+$0x0], $0xffff  }
0xc2: {  	v15 =	vld.idx.msk [tilespmem:v15+s15+$0x0], $0xffff  }
0xc3: {  	(v2sf) =	vpush @!p0 v5, $0x3;
	_ =	sdelay $0x3  }
0xc4: {  	v12 =	vmul.f32 v14, v12;
	v13 =	vmul.f32 v15, v13;
	_ =	sdelay $0x1  }
0xc5: {  	v12 =	vadd.f32 v13, v12;
	_ =	sdelay $0x1  }
0xc6: {  	(xrf2) =	vadd.scan.msk.f32 $0xffff, v12;
	_ =	sdelay $0x2  }
0xc7: {  	s10 =	spop @!p0 (v2sf)  }
0xc8: {  	s10 =	sand.u32 @!p0 $0xFFFFF80, s10  }
0xc9: {  	s14 =	simm.s32 @!p0 $0x3500;
	s10 =	sadd.s32 @!p0 s1, s10  }
0xca: {  	[tilespmem:s14], [sflag:$0x4] =	stream.strided.gather @!p0 [hbm4b:s10+s7], $0x1000, s13, s7, $0x38;
	[tilespmem:$0x10700] =	vst v63  }
0xcb: {  	s10 =	spop @!p0 (v2sf)  }
0xcc: {  	s10 =	sand.u32 @!p0 $0xFFFFF80, s10  }
0xcd: {  	s14 =	simm.s32 @!p0 $0xB500;
	s10 =	sadd.s32 @!p0 s3, s10  }
0xce: {  	[tilespmem:s14], [sflag:$0x4] =	stream.strided.gather @!p0 [hbm4b:s10+s7], $0x1000, s13, s7, $0x38;
	v12, _, _ =	vpop (xrf2);
	[tilespmem:$0x10700] =	vst v63  }
0xcf: {  	_ =	swait.ge [sflag:s4], $0x1000  }
0xd0: {  	[sflag:s4] =	ssyncset.done $0x0  }
0xd1: {  	[sflag:s4] =	ssyncadd.s32 $0xFFFFF000  }
0xd2: {  	_ =	swait.ge [sflag:s4], $0x1000  }
0xd3: {  	(v2sf) =	vpush v7, $0x4;
	_ =	sdelay $0x1  }
0xd4: {  	(v2sf) =	vpush v8, $0x4;
	_ =	sdelay $0xc  }
0xd5: {  	s16 =	spop (v2sf)  }
0xd6: {  	s10 =	sand.u32 $0x7F, s16  }
0xd7: {  	s17 =	spop (v2sf);
	v50 =	vor.u32 s10, v1  }
0xd8: {  	s14 =	sand.u32 $0x7F, s17;
	v51 =	vor.u32 s10, v3  }
0xd9: {  	v52 =	vor.u32 s14, v1  }
0xda: {  	[sflag:s4] =	ssyncset.done $0x0;
	v16 =	vor.u32 s14, v3  }
0xdb: {  	s18 =	simm.s32 $0x4500;
	[sflag:s4] =	ssyncadd.s32 $0xFFFFF000  }
0xdc: {  	(v2sf) =	vpush @!p0 v6, $0x4;
	v13 =	vld.idx.msk [tilespmem:v50+s18+$0x0], $0xffff  }
0xdd: {  	s20 =	simm.s32 $0xC500;
	v14 =	vld.idx.msk [tilespmem:v51+s18+$0x0], $0xffff  }
0xde: {  	v15 =	vld.idx.msk [tilespmem:v52+s20+$0x0], $0xffff  }
0xdf: {  	v16 =	vld.idx.msk [tilespmem:v16+s20+$0x0], $0xffff  }
0xe0: {  	(v2sf) =	vpush @!p0 v5, $0x4;
	_ =	sdelay $0x3  }
0xe1: {  	v13 =	vmul.f32 v15, v13;
	v14 =	vmul.f32 v16, v14;
	_ =	sdelay $0x1  }
0xe2: {  	v13 =	vadd.f32 v14, v13;
	_ =	sdelay $0x1  }
0xe3: {  	(xrf2) =	vadd.scan.msk.f32 $0xffff, v13;
	_ =	sdelay $0x2  }
0xe4: {  	s10 =	spop @!p0 (v2sf)  }
0xe5: {  	s10 =	sand.u32 @!p0 $0xFFFFF80, s10  }
0xe6: {  	s14 =	simm.s32 @!p0 $0x4500;
	s10 =	sadd.s32 @!p0 s1, s10  }
0xe7: {  	[tilespmem:s14], [sflag:$0x5] =	stream.strided.gather @!p0 [hbm4b:s10+s7], $0x1000, s13, s7, $0x38;
	[tilespmem:$0x10700] =	vst v63  }
0xe8: {  	s10 =	spop @!p0 (v2sf)  }
0xe9: {  	s10 =	sand.u32 @!p0 $0xFFFFF80, s10  }
0xea: {  	s14 =	simm.s32 @!p0 $0xC500;
	s10 =	sadd.s32 @!p0 s3, s10  }
0xeb: {  	[tilespmem:s14], [sflag:$0x5] =	stream.strided.gather @!p0 [hbm4b:s10+s7], $0x1000, s13, s7, $0x38;
	v13, _, _ =	vpop (xrf2);
	[tilespmem:$0x10700] =	vst v63  }
0xec: {  	_ =	swait.ge [sflag:s9], $0x1000  }
0xed: {  	[sflag:s9] =	ssyncset.done $0x0  }
0xee: {  	[sflag:s9] =	ssyncadd.s32 $0xFFFFF000  }
0xef: {  	_ =	swait.ge [sflag:s9], $0x1000  }
0xf0: {  	(v2sf) =	vpush v7, $0x5;
	_ =	sdelay $0x1  }
0xf1: {  	(v2sf) =	vpush v8, $0x5;
	_ =	sdelay $0xc  }
0xf2: {  	s14 =	spop (v2sf)  }
0xf3: {  	s10 =	sand.u32 $0x7F, s14  }
0xf4: {  	s15 =	spop (v2sf);
	v53 =	vor.u32 s10, v1  }
0xf5: {  	s14 =	sand.u32 $0x7F, s15;
	v54 =	vor.u32 s10, v3  }
0xf6: {  	v55 =	vor.u32 s14, v1  }
0xf7: {  	[sflag:s9] =	ssyncset.done $0x0;
	v17 =	vor.u32 s14, v3  }
0xf8: {  	s16 =	simm.s32 $0x5500;
	[sflag:s9] =	ssyncadd.s32 $0xFFFFF000  }
0xf9: {  	(v2sf) =	vpush @!p0 v6, $0x5;
	v14 =	vld.idx.msk [tilespmem:v53+s16+$0x0], $0xffff  }
0xfa: {  	s17 =	simm.s32 $0xD500;
	v15 =	vld.idx.msk [tilespmem:v54+s16+$0x0], $0xffff  }
0xfb: {  	v16 =	vld.idx.msk [tilespmem:v55+s17+$0x0], $0xffff  }
0xfc: {  	v17 =	vld.idx.msk [tilespmem:v17+s17+$0x0], $0xffff  }
0xfd: {  	(v2sf) =	vpush @!p0 v5, $0x5;
	_ =	sdelay $0x3  }
0xfe: {  	v14 =	vmul.f32 v16, v14;
	v15 =	vmul.f32 v17, v15;
	_ =	sdelay $0x1  }
0xff: {  	v14 =	vadd.f32 v15, v14;
	_ =	sdelay $0x1  }
0x100: {  	(xrf2) =	vadd.scan.msk.f32 $0xffff, v14;
	_ =	sdelay $0x2  }
0x101: {  	s10 =	spop @!p0 (v2sf)  }
0x102: {  	s10 =	sand.u32 @!p0 $0xFFFFF80, s10  }
0x103: {  	s14 =	simm.s32 @!p0 $0x5500;
	s10 =	sadd.s32 @!p0 s1, s10  }
0x104: {  	[tilespmem:s14], [sflag:$0x6] =	stream.strided.gather @!p0 [hbm4b:s10+s7], $0x1000, s13, s7, $0x38;
	[tilespmem:$0x10700] =	vst v63  }
0x105: {  	s10 =	spop @!p0 (v2sf)  }
0x106: {  	s10 =	sand.u32 @!p0 $0xFFFFF80, s10  }
0x107: {  	s14 =	simm.s32 @!p0 $0xD500;
	s10 =	sadd.s32 @!p0 s3, s10  }
0x108: {  	[tilespmem:s14], [sflag:$0x6] =	stream.strided.gather @!p0 [hbm4b:s10+s7], $0x1000, s13, s7, $0x38;
	v14, _, _ =	vpop (xrf2);
	[tilespmem:$0x10700] =	vst v63  }
0x109: {  	_ =	swait.ge [sflag:s5], $0x1000  }
0x10a: {  	[sflag:s5] =	ssyncset.done $0x0  }
0x10b: {  	[sflag:s5] =	ssyncadd.s32 $0xFFFFF000  }
0x10c: {  	_ =	swait.ge [sflag:s5], $0x1000  }
0x10d: {  	(v2sf) =	vpush v7, $0x6;
	_ =	sdelay $0x1  }
0x10e: {  	(v2sf) =	vpush v8, $0x6;
	_ =	sdelay $0xc  }
0x10f: {  	s18 =	spop (v2sf)  }
0x110: {  	s10 =	sand.u32 $0x7F, s18  }
0x111: {  	s20 =	spop (v2sf);
	v56 =	vor.u32 s10, v1  }
0x112: {  	s14 =	sand.u32 $0x7F, s20;
	v57 =	vor.u32 s10, v3  }
0x113: {  	v58 =	vor.u32 s14, v1  }
0x114: {  	[sflag:s5] =	ssyncset.done $0x0;
	v18 =	vor.u32 s14, v3  }
0x115: {  	s15 =	simm.s32 $0x6500;
	[sflag:s5] =	ssyncadd.s32 $0xFFFFF000  }
0x116: {  	(v2sf) =	vpush @!p0 v6, $0x6;
	v15 =	vld.idx.msk [tilespmem:v56+s15+$0x0], $0xffff  }
0x117: {  	s16 =	simm.s32 $0xE500;
	v16 =	vld.idx.msk [tilespmem:v57+s15+$0x0], $0xffff  }
0x118: {  	v17 =	vld.idx.msk [tilespmem:v58+s16+$0x0], $0xffff  }
0x119: {  	v18 =	vld.idx.msk [tilespmem:v18+s16+$0x0], $0xffff  }
0x11a: {  	(v2sf) =	vpush @!p0 v5, $0x6;
	_ =	sdelay $0x3  }
0x11b: {  	v15 =	vmul.f32 v17, v15;
	v16 =	vmul.f32 v18, v16;
	_ =	sdelay $0x1  }
0x11c: {  	v15 =	vadd.f32 v16, v15;
	_ =	sdelay $0x1  }
0x11d: {  	(xrf2) =	vadd.scan.msk.f32 $0xffff, v15;
	_ =	sdelay $0x2  }
0x11e: {  	s10 =	spop @!p0 (v2sf)  }
0x11f: {  	s10 =	sand.u32 @!p0 $0xFFFFF80, s10  }
0x120: {  	s14 =	simm.s32 @!p0 $0x6500;
	s10 =	sadd.s32 @!p0 s1, s10  }
0x121: {  	[tilespmem:s14], [sflag:$0x7] =	stream.strided.gather @!p0 [hbm4b:s10+s7], $0x1000, s13, s7, $0x38;
	[tilespmem:$0x10700] =	vst v63  }
0x122: {  	s10 =	spop @!p0 (v2sf)  }
0x123: {  	s10 =	sand.u32 @!p0 $0xFFFFF80, s10  }
0x124: {  	s14 =	simm.s32 @!p0 $0xE500;
	s10 =	sadd.s32 @!p0 s3, s10  }
0x125: {  	[tilespmem:s14], [sflag:$0x7] =	stream.strided.gather @!p0 [hbm4b:s10+s7], $0x1000, s13, s7, $0x38;
	v15, _, _ =	vpop (xrf2);
	[tilespmem:$0x10700] =	vst v63  }
0x126: {  	_ =	swait.ge [sflag:s6], $0x1000  }
0x127: {  	[sflag:s6] =	ssyncset.done $0x0  }
0x128: {  	[sflag:s6] =	ssyncadd.s32 $0xFFFFF000  }
0x129: {  	_ =	swait.ge [sflag:s6], $0x1000  }
0x12a: {  	(v2sf) =	vpush v7, $0x7;
	_ =	sdelay $0x1  }
0x12b: {  	(v2sf) =	vpush v8, $0x7;
	_ =	sdelay $0xc  }
0x12c: {  	s17 =	spop (v2sf)  }
0x12d: {  	s10 =	sand.u32 $0x7F, s17  }
0x12e: {  	s20 =	spop (v2sf);
	v7 =	vor.u32 s10, v1  }
0x12f: {  	s14 =	sand.u32 $0x7F, s20;
	v59 =	vor.u32 s10, v3  }
0x130: {  	v60 =	vor.u32 s14, v1  }
0x131: {  	[sflag:s6] =	ssyncset.done $0x0;
	(v2sf) =	vpush @!p0 v6, $0x7;
	v6 =	vor.u32 s14, v3  }
0x132: {  	[sflag:s6] =	ssyncadd.s32 $0xFFFFF000;
	s14 =	simm.s32 $0x7500  }
0x133: {  	v7 =	vld.idx.msk [tilespmem:v7+s14+$0x0], $0xffff  }
0x134: {  	s15 =	simm.s32 $0xF500;
	v8 =	vld.idx.msk [tilespmem:v59+s14+$0x0], $0xffff  }
0x135: {  	v16 =	vld.idx.msk [tilespmem:v60+s15+$0x0], $0xffff  }
0x136: {  	v6 =	vld.idx.msk [tilespmem:v6+s15+$0x0], $0xffff  }
0x137: {  	(v2sf) =	vpush @!p0 v5, $0x7;
	_ =	sdelay $0x3  }
0x138: {  	v5 =	vmul.f32 v16, v7;
	v6 =	vmul.f32 v6, v8;
	_ =	sdelay $0x1  }
0x139: {  	v5 =	vadd.f32 v6, v5  }
0x13a: {  	s10 =	sand.u32 $0x1, s11  }
0x13b: {  	s14 =	sshll.u32 s10, $0x3;
	(xrf2) =	vadd.scan.msk.f32 $0xffff, v5  }
0x13c: {  	s16 =	sor.u32 $0x1, s14;
	s15 =	spop @!p0 (v2sf)  }
0x13d: {  	v7 =	vmov s16;
	s16 =	sor.u32 $0x2, s14;
	v6 =	vbroadcast v9, $0xF;
	s15 =	sand.u32 @!p0 $0xFFFFF80, s15;
	v5 =	vmov s14  }
0x13e: {  	v61 =	vmov s16;
	s16 =	simm.s32 @!p0 $0x7500;
	s15 =	sadd.s32 @!p0 s1, s15;
	vm0 =	veq.s32 v5, v0;
	v5 =	vbroadcast v10, $0xF  }
0x13f: {  	vm9 =	veq.s32 v7, v0;
	[tilespmem:s16], [sflag:$0x8] =	stream.strided.gather @!p0 [hbm4b:s15+s7], $0x1000, s13, s7, $0x38;
	v4 =	vsel vm0, v6, v4;
	v6 =	vbroadcast v11, $0xF;
	[tilespmem:$0x10700] =	vst v63  }
0x140: {  	vm10 =	veq.s32 v61, v0;
	s16 =	sor.u32 $0x3, s14;
	v4 =	vsel vm9, v5, v4  }
0x141: {  	s15 =	sor.u32 $0x4, s14;
	v5 =	vmov s16;
	s16 =	sor.u32 $0x5, s14;
	v4 =	vsel vm10, v6, v4;
	v6 =	vbroadcast v12, $0xF  }
0x142: {  	vm11 =	veq.s32 v5, v0;
	v5 =	vmov s15;
	v7 =	vmov s16;
	s15 =	sor.u32 $0x6, s14;
	s16 =	spop @!p0 (v2sf)  }
0x143: {  	s14 =	sor.u32 $0x7, s14;
	v62 =	vmov s15;
	s15 =	sand.u32 @!p0 $0xFFFFF80, s16;
	v4 =	vsel vm11, v6, v4;
	v6 =	vbroadcast v13, $0xF  }
0x144: {  	p1 =	seq.s32 @!p0 s10, $0x0;
	vm12 =	veq.s32 v5, v0;
	v5 =	vbroadcast v14, $0xF;
	v63 =	vmov s14;
	s14 =	sadd.s32 @!p0 s3, s15;
	s15 =	simm.s32 @!p0 $0xF500  }
0x145: {  	vm13 =	veq.s32 v7, v0;
	[tilespmem:s15], [sflag:$0x8] =	stream.strided.gather @!p0 [hbm4b:s14+s7], $0x1000, s13, s7, $0x38;
	v4 =	vsel vm12, v6, v4;
	v6 =	vbroadcast v15, $0xF;
	v7, _, _ =	vpop (xrf2);
	[tilespmem:$0x10700] =	vst v63  }
0x146: {  	vm14 =	veq.s32 v62, v0;
	p0 =	por p0, !p1;
	v4 =	vsel vm13, v5, v4;
	v5 =	vbroadcast v7, $0xF  }
0x147: {  	vm15 =	veq.s32 v63, v0;
	s7 =	sand.u32 @p0 $0x7C0, s8;
	v4 =	vsel vm14, v6, v4  }
0x148: {  	s8 =	sadd.s32 $0x20, s8;
	s7 =	sshrl.u32 @p0 s7, $0x2;
	v4 =	vsel vm15, v5, v4  }
0x149: {  	[tilespmem:s7+$0x10500] =	vst @p0 v4;
	p0 =	sne.s32 s8, $0x800  }
.Ltmp0:
0x14a: {  	s19 =	simm.s32 $0x1500;
	s28 =	simm.s32 $0x5500;
	(pc) =	sbr.rel @p0 .LBB2_2-.Ltmp0, $4  }
0x14b: {  	s29 =	simm.s32 $0xD500;
	s30 =	simm.s32 $0x6500;
	s21 =	simm.s32 $0x2500  }
0x14c: {  	s22 =	simm.s32 $0xA500;
	s23 =	simm.s32 $0x3500;
	s24 =	simm.s32 $0xB500  }
0x14d: {  	s25 =	simm.s32 $0x4500;
	s26 =	simm.s32 $0xC500;
	s18 =	simm.s32 $0xE500  }
0x14e: {  	s17 =	simm.s32 $0x7500;
	s20 =	simm.s32 $0xF500;
	s11 =	sadd.s32 $0x1, s11  }
0x14f: {  	s8 =	simm.s32 $0x0  }
0x150: {  	s7 =	rddreg [dreg:$0x7];
	s10 =	simm.s32 $0x10500;
	s13 =	simm.s32 $0x9  }
0x151: {  	[hbm4b:s7+s8] =	stream.linear.scatter [tilespmem:s10], [sflag:$0x9], $0x200, $0x38;
	[tilespmem:$0x10700] =	vst v63  }
0x152: {  	_ =	swait.ge [sflag:s13], $0x200  }
0x153: {  	s15 =	rddreg [dreg:$0x9]  }
0x154: {  	s16 =	rddreg [dreg:$0x8];
	s10 =	sadd.s32 $0x1, s15  }
0x155: {  	p0 =	sne.s32 s10, s16  }
.Ltmp1:
0x156: {  	_ = 	snop;
	(pc) =	sbr.rel @p0 .LBB2_1-.Ltmp1, $3  }
0x157: {  	_ =	sdelay $0x1  }
0x158: {  	[sflag:s13] =	ssyncset.done $0x0  }
0x159: {  	[sflag:s13] =	ssyncadd.s32 $0xFFFFFE00  }
0x15a: {  	_ =	sfence.sel $0x180000  }
0x15b: {  	[bflag:$0x0] =	sbarrier.arrive $0xFFFF  }
0x15c: {  	_ =	strace $0x90000047  }
0x15d: {  	s0 =	stileid.u32;
	[bflag:$0x2] =	sbarrier.arrive $0xFFFF  }
0x15e: {  	p0 =	sne.s32 s0, $0x0;
	s0 =	rddreg [dreg:$0x4]  }
0x15f: {  	s0 =	sadd.s32 @!p0 $0x100000, s0  }
0x160: {  	[sflag:s0] =	ssyncadd.tile.s32 @!p0 $0x1;
	_ =	shalt  }
.Lfunc_end2:
_tile_overlayer_lowered:
.L_overlay_start_2:
0x161: {  	(tag) =	ssettag $0x2  }
0x162: {  	s0 =	rddreg [dreg:$0x0];
	s2 =	stileid.u32  }
0x163: {  	s1 =	rddreg [dreg:$0x1];
	p0 =	sne.s32 s2, $0x0  }
0x164: {  	s3 =	rddreg [dreg:$0x2];
	[bflag:$0x3] =	sbarrier.arrive $0xFFFF;
	s2 =	simm.s32 @!p0 $0x1C09  }
0x165: {  	[timem:s3], [sflag:s2] =	dma.local @!p0 [hbm:s0], s1  }
0x166: {  	s0 =	simm.s32 @!p0 $0x9  }
0x167: {  	_ =	swait.ge @!p0 [sflag:s0], s1  }
0x168: {  	s1 =	ssub.s32 @!p0 $0x0, s1;
	[sflag:s0] =	ssyncset.done @!p0 $0x0  }
0x169: {  	[sflag:s0] =	ssyncadd.s32 @!p0 s1  }
0x16a: {  	[bflag:$0x3] =	sbarrier.arrive $0xFFFF  }
0x16b: {  	_ =	shalt  }

</sc_bundles>
